<compile_context>
chip_gen: v7x
topology: tpu7x:2x2x1
jax: 0.10.2.dev20260603
libtpu: 0.0.44.dev20260713+nightly
codegen_flags: <defaults>
</compile_context>

<pallas_src>
import functools

import jax
import jax.numpy as jnp
from jax import lax
from jax.experimental import pallas as pl
from jax.experimental.pallas import tpu as pltpu
from jax.experimental.pallas import tpu_sc as plsc

N_POS = 8192
D_MODEL = 1024
N_CORES = 2
N_SUBCORES = 16
N_WORKERS = N_CORES * N_SUBCORES
ROWS_PER_W = N_POS // N_WORKERS

CHUNK = 24
NBUF = 5
_full = ROWS_PER_W // CHUNK
_tail = ROWS_PER_W - _full * CHUNK
CHUNK_SIZES = [CHUNK] * _full + ([_tail] if _tail else [])
CHUNK_OFFS = [sum(CHUNK_SIZES[:i]) for i in range(len(CHUNK_SIZES))]
N_CHUNKS = len(CHUNK_SIZES)


@functools.partial(
    pl.kernel,
    mesh=plsc.VectorSubcoreMesh(core_axis_name="c", subcore_axis_name="s"),
    out_type=jax.ShapeDtypeStruct((N_POS, D_MODEL), jnp.float32),
    scratch_types=(
        [pltpu.VMEM((CHUNK, D_MODEL), jnp.float32)] * NBUF
        + [pltpu.SemaphoreType.DMA] * (2 * NBUF)
    ),
)
def _sc_copy(table_hbm, out_hbm, *scratch):
    wid = lax.axis_index("s") * N_CORES + lax.axis_index("c")
    base = wid * ROWS_PER_W
    bufs = scratch[:NBUF]
    rsems = scratch[NBUF:2 * NBUF]
    wsems = scratch[2 * NBUF:]

    def rd(i):
        b, n = i % NBUF, CHUNK_SIZES[i]
        return pltpu.make_async_copy(
            table_hbm.at[pl.ds(base + CHUNK_OFFS[i], n)],
            bufs[b].at[pl.ds(0, n)], rsems[b])

    def wr(i):
        b, n = i % NBUF, CHUNK_SIZES[i]
        return pltpu.make_async_copy(
            bufs[b].at[pl.ds(0, n)],
            out_hbm.at[pl.ds(base + CHUNK_OFFS[i], n)], wsems[b])

    for i in range(min(NBUF, N_CHUNKS)):
        rd(i).start()
    for i in range(N_CHUNKS):
        rd(i).wait()
        wr(i).start()
        if i >= 1 and i + NBUF - 1 < N_CHUNKS:
            wr(i - 1).wait()
            rd(i + NBUF - 1).start()
    for i in range(max(0, N_CHUNKS - NBUF), N_CHUNKS):
        wr(i).wait()


def kernel(x, positional_embedding):
    del x
    return _sc_copy(positional_embedding)

# --- scband reference (transcript-rebuilt; emitter-appended) ---
"""Pipeline reference for scband-learnable-positional-encoding-3066606649714 (READ-ONLY COPY).

The authoritative reference and input builder live on the scoring server;
editing this copy changes nothing except your own understanding.
"""

import jax, jax.numpy as jnp
import numpy as np

N_POS = 8192
D_MODEL = 1024

def setup_inputs(seed: int = 0) -> dict:
    key = jax.random.key(seed)
    k_x, k_tab = jax.random.split(key)
    x = jax.random.normal(k_x, (4, 8192, D_MODEL), dtype=jnp.float32)
    positional_embedding = jax.random.normal(k_tab, (N_POS, D_MODEL), dtype=jnp.float32) * 0.02
    return {"x": x, "positional_embedding": positional_embedding}

def reference(x, positional_embedding):
    # forward: self.positional_embedding(torch.arange(x.size(1)))
    idx = jnp.arange(x.shape[1])
    return jnp.take(positional_embedding, idx, axis=0)

if __name__ == "__main__":
    import jax
    _d = setup_inputs()
    print(jax.jit(kernel)(*tuple(_d.values())))

</pallas_src>

<mosaic_0001>
#map = affine_map<(d0, d1) -> (0, 0)>
module attributes {stable_mosaic.version = 14 : i64} {
  func.func @_sc_copy(%arg0: i32, %arg1: i32, %arg2: memref<8192x1024xf32, #tpu.memory_space<hbm>>, %arg3: memref<8192x1024xf32, #tpu.memory_space<hbm>>, %arg4: memref<24x1024xf32, #tpu.memory_space<vmem>>, %arg5: memref<24x1024xf32, #tpu.memory_space<vmem>>, %arg6: memref<24x1024xf32, #tpu.memory_space<vmem>>, %arg7: memref<24x1024xf32, #tpu.memory_space<vmem>>, %arg8: memref<24x1024xf32, #tpu.memory_space<vmem>>, %arg9: memref<!tpu.dma_semaphore, #tpu.memory_space<semaphore_mem>>, %arg10: memref<!tpu.dma_semaphore, #tpu.memory_space<semaphore_mem>>, %arg11: memref<!tpu.dma_semaphore, #tpu.memory_space<semaphore_mem>>, %arg12: memref<!tpu.dma_semaphore, #tpu.memory_space<semaphore_mem>>, %arg13: memref<!tpu.dma_semaphore, #tpu.memory_space<semaphore_mem>>, %arg14: memref<!tpu.dma_semaphore, #tpu.memory_space<semaphore_mem>>, %arg15: memref<!tpu.dma_semaphore, #tpu.memory_space<semaphore_mem>>, %arg16: memref<!tpu.dma_semaphore, #tpu.memory_space<semaphore_mem>>, %arg17: memref<!tpu.dma_semaphore, #tpu.memory_space<semaphore_mem>>, %arg18: memref<!tpu.dma_semaphore, #tpu.memory_space<semaphore_mem>>) attributes {dimension_semantics = [#tpu.dimension_semantics<core_parallel>, #tpu.dimension_semantics<subcore_parallel>], iteration_bounds = array<i64: 2, 16>, scalar_prefetch = 0 : i64, scratch_operands = 15 : i64, tpu.core_type = #tpu.core_type<sc_vector_subcore>, window_params = [{transform_indices = #map}, {transform_indices = #map}]} {
    %mul3A = arith.constant 2 : i32
    %mul3A_0 = arith.muli %arg1, %mul3A : i32
    %add3A = arith.addi %mul3A_0, %arg0 : i32
    %mul3A_1 = arith.constant 256 : i32
    %mul3A_2 = arith.muli %add3A, %mul3A_1 : i32
    %add3A_3 = arith.constant 0 : i32
    %add3A_4 = arith.addi %mul3A_2, %add3A_3 : i32
    %dma_start3A = arith.constant 0 : i32
    %dma_start3A_5 = arith.constant 0 : i32
    %dma_start3A_6 = tpu.memref_slice %arg4[%dma_start3A, %dma_start3A_5] : memref<24x1024xf32, #tpu.memory_space<vmem>> -> memref<24x1024xf32, #tpu.memory_space<vmem>>
    %dma_start3A_7 = arith.constant 0 : i32
    %dma_start3A_8 = tpu.memref_slice %arg2[%add3A_4, %dma_start3A_7] : memref<8192x1024xf32, #tpu.memory_space<hbm>> -> memref<24x1024xf32, #tpu.memory_space<hbm>>
    %dma_start3A_9 = arith.constant 0 : i32
    %dma_start3A_10 = arith.constant 0 : i32
    %dma_start3A_11 = tpu.memref_slice %arg4[%dma_start3A_9, %dma_start3A_10] : memref<24x1024xf32, #tpu.memory_space<vmem>> -> memref<24x1024xf32, #tpu.memory_space<vmem>>
    %dma_start3A_12 = arith.constant 0 : i32
    %dma_start3A_13 = tpu.memref_slice %arg2[%add3A_4, %dma_start3A_12] : memref<8192x1024xf32, #tpu.memory_space<hbm>> -> memref<24x1024xf32, #tpu.memory_space<hbm>>
    tpu.enqueue_dma source(%dma_start3A_13 : memref<24x1024xf32, #tpu.memory_space<hbm>>) target(%dma_start3A_11 : memref<24x1024xf32, #tpu.memory_space<vmem>>) target_semaphore(%arg9 : memref<!tpu.dma_semaphore, #tpu.memory_space<semaphore_mem>>)
    %add3A_14 = arith.constant 24 : i32
    %add3A_15 = arith.addi %mul3A_2, %add3A_14 : i32
    %dma_start3A_16 = arith.constant 0 : i32
    %dma_start3A_17 = arith.constant 0 : i32
    %dma_start3A_18 = tpu.memref_slice %arg5[%dma_start3A_16, %dma_start3A_17] : memref<24x1024xf32, #tpu.memory_space<vmem>> -> memref<24x1024xf32, #tpu.memory_space<vmem>>
    %dma_start3A_19 = arith.constant 0 : i32
    %dma_start3A_20 = tpu.memref_slice %arg2[%add3A_15, %dma_start3A_19] : memref<8192x1024xf32, #tpu.memory_space<hbm>> -> memref<24x1024xf32, #tpu.memory_space<hbm>>
    %dma_start3A_21 = arith.constant 0 : i32
    %dma_start3A_22 = arith.constant 0 : i32
    %dma_start3A_23 = tpu.memref_slice %arg5[%dma_start3A_21, %dma_start3A_22] : memref<24x1024xf32, #tpu.memory_space<vmem>> -> memref<24x1024xf32, #tpu.memory_space<vmem>>
    %dma_start3A_24 = arith.constant 0 : i32
    %dma_start3A_25 = tpu.memref_slice %arg2[%add3A_15, %dma_start3A_24] : memref<8192x1024xf32, #tpu.memory_space<hbm>> -> memref<24x1024xf32, #tpu.memory_space<hbm>>
    tpu.enqueue_dma source(%dma_start3A_25 : memref<24x1024xf32, #tpu.memory_space<hbm>>) target(%dma_start3A_23 : memref<24x1024xf32, #tpu.memory_space<vmem>>) target_semaphore(%arg10 : memref<!tpu.dma_semaphore, #tpu.memory_space<semaphore_mem>>)
    %add3A_26 = arith.constant 48 : i32
    %add3A_27 = arith.addi %mul3A_2, %add3A_26 : i32
    %dma_start3A_28 = arith.constant 0 : i32
    %dma_start3A_29 = arith.constant 0 : i32
    %dma_start3A_30 = tpu.memref_slice %arg6[%dma_start3A_28, %dma_start3A_29] : memref<24x1024xf32, #tpu.memory_space<vmem>> -> memref<24x1024xf32, #tpu.memory_space<vmem>>
    %dma_start3A_31 = arith.constant 0 : i32
    %dma_start3A_32 = tpu.memref_slice %arg2[%add3A_27, %dma_start3A_31] : memref<8192x1024xf32, #tpu.memory_space<hbm>> -> memref<24x1024xf32, #tpu.memory_space<hbm>>
    %dma_start3A_33 = arith.constant 0 : i32
    %dma_start3A_34 = arith.constant 0 : i32
    %dma_start3A_35 = tpu.memref_slice %arg6[%dma_start3A_33, %dma_start3A_34] : memref<24x1024xf32, #tpu.memory_space<vmem>> -> memref<24x1024xf32, #tpu.memory_space<vmem>>
    %dma_start3A_36 = arith.constant 0 : i32
    %dma_start3A_37 = tpu.memref_slice %arg2[%add3A_27, %dma_start3A_36] : memref<8192x1024xf32, #tpu.memory_space<hbm>> -> memref<24x1024xf32, #tpu.memory_space<hbm>>
    tpu.enqueue_dma source(%dma_start3A_37 : memref<24x1024xf32, #tpu.memory_space<hbm>>) target(%dma_start3A_35 : memref<24x1024xf32, #tpu.memory_space<vmem>>) target_semaphore(%arg11 : memref<!tpu.dma_semaphore, #tpu.memory_space<semaphore_mem>>)
    %add3A_38 = arith.constant 72 : i32
    %add3A_39 = arith.addi %mul3A_2, %add3A_38 : i32
    %dma_start3A_40 = arith.constant 0 : i32
    %dma_start3A_41 = arith.constant 0 : i32
    %dma_start3A_42 = tpu.memref_slice %arg7[%dma_start3A_40, %dma_start3A_41] : memref<24x1024xf32, #tpu.memory_space<vmem>> -> memref<24x1024xf32, #tpu.memory_space<vmem>>
    %dma_start3A_43 = arith.constant 0 : i32
    %dma_start3A_44 = tpu.memref_slice %arg2[%add3A_39, %dma_start3A_43] : memref<8192x1024xf32, #tpu.memory_space<hbm>> -> memref<24x1024xf32, #tpu.memory_space<hbm>>
    %dma_start3A_45 = arith.constant 0 : i32
    %dma_start3A_46 = arith.constant 0 : i32
    %dma_start3A_47 = tpu.memref_slice %arg7[%dma_start3A_45, %dma_start3A_46] : memref<24x1024xf32, #tpu.memory_space<vmem>> -> memref<24x1024xf32, #tpu.memory_space<vmem>>
    %dma_start3A_48 = arith.constant 0 : i32
    %dma_start3A_49 = tpu.memref_slice %arg2[%add3A_39, %dma_start3A_48] : memref<8192x1024xf32, #tpu.memory_space<hbm>> -> memref<24x1024xf32, #tpu.memory_space<hbm>>
    tpu.enqueue_dma source(%dma_start3A_49 : memref<24x1024xf32, #tpu.memory_space<hbm>>) target(%dma_start3A_47 : memref<24x1024xf32, #tpu.memory_space<vmem>>) target_semaphore(%arg12 : memref<!tpu.dma_semaphore, #tpu.memory_space<semaphore_mem>>)
    %add3A_50 = arith.constant 96 : i32
    %add3A_51 = arith.addi %mul3A_2, %add3A_50 : i32
    %dma_start3A_52 = arith.constant 0 : i32
    %dma_start3A_53 = arith.constant 0 : i32
    %dma_start3A_54 = tpu.memref_slice %arg8[%dma_start3A_52, %dma_start3A_53] : memref<24x1024xf32, #tpu.memory_space<vmem>> -> memref<24x1024xf32, #tpu.memory_space<vmem>>
    %dma_start3A_55 = arith.constant 0 : i32
    %dma_start3A_56 = tpu.memref_slice %arg2[%add3A_51, %dma_start3A_55] : memref<8192x1024xf32, #tpu.memory_space<hbm>> -> memref<24x1024xf32, #tpu.memory_space<hbm>>
    %dma_start3A_57 = arith.constant 0 : i32
    %dma_start3A_58 = arith.constant 0 : i32
    %dma_start3A_59 = tpu.memref_slice %arg8[%dma_start3A_57, %dma_start3A_58] : memref<24x1024xf32, #tpu.memory_space<vmem>> -> memref<24x1024xf32, #tpu.memory_space<vmem>>
    %dma_start3A_60 = arith.constant 0 : i32
    %dma_start3A_61 = tpu.memref_slice %arg2[%add3A_51, %dma_start3A_60] : memref<8192x1024xf32, #tpu.memory_space<hbm>> -> memref<24x1024xf32, #tpu.memory_space<hbm>>
    tpu.enqueue_dma source(%dma_start3A_61 : memref<24x1024xf32, #tpu.memory_space<hbm>>) target(%dma_start3A_59 : memref<24x1024xf32, #tpu.memory_space<vmem>>) target_semaphore(%arg13 : memref<!tpu.dma_semaphore, #tpu.memory_space<semaphore_mem>>)
    %add3A_62 = arith.constant 0 : i32
    %add3A_63 = arith.addi %mul3A_2, %add3A_62 : i32
    %dma_wait3A = arith.constant 0 : i32
    %dma_wait3A_64 = arith.constant 0 : i32
    %dma_wait3A_65 = tpu.memref_slice %arg4[%dma_wait3A, %dma_wait3A_64] : memref<24x1024xf32, #tpu.memory_space<vmem>> -> memref<24x1024xf32, #tpu.memory_space<vmem>>
    %dma_wait3A_66 = arith.constant 0 : i32
    %dma_wait3A_67 = tpu.memref_slice %arg2[%add3A_63, %dma_wait3A_66] : memref<8192x1024xf32, #tpu.memory_space<hbm>> -> memref<24x1024xf32, #tpu.memory_space<hbm>>
    %dma_wait3A_68 = arith.constant 0 : i32
    %dma_wait3A_69 = arith.constant 0 : i32
    %dma_wait3A_70 = tpu.memref_slice %arg4[%dma_wait3A_68, %dma_wait3A_69] : memref<24x1024xf32, #tpu.memory_space<vmem>> -> memref<24x1024xf32, #tpu.memory_space<vmem>>
    %dma_wait3A_71 = arith.constant 0 : i32
    %dma_wait3A_72 = tpu.memref_slice %arg2[%add3A_63, %dma_wait3A_71] : memref<8192x1024xf32, #tpu.memory_space<hbm>> -> memref<24x1024xf32, #tpu.memory_space<hbm>>
    tpu.wait_dma2 semaphore(%arg9 : memref<!tpu.dma_semaphore, #tpu.memory_space<semaphore_mem>>) src(%dma_wait3A_72 : memref<24x1024xf32, #tpu.memory_space<hbm>>) dst(%dma_wait3A_70 : memref<24x1024xf32, #tpu.memory_space<vmem>>)
    %add3A_73 = arith.constant 0 : i32
    %add3A_74 = arith.addi %mul3A_2, %add3A_73 : i32
    %dma_start3A_75 = arith.constant 0 : i32
    %dma_start3A_76 = arith.constant 0 : i32
    %dma_start3A_77 = tpu.memref_slice %arg4[%dma_start3A_75, %dma_start3A_76] : memref<24x1024xf32, #tpu.memory_space<vmem>> -> memref<24x1024xf32, #tpu.memory_space<vmem>>
    %dma_start3A_78 = arith.constant 0 : i32
    %dma_start3A_79 = tpu.memref_slice %arg3[%add3A_74, %dma_start3A_78] : memref<8192x1024xf32, #tpu.memory_space<hbm>> -> memref<24x1024xf32, #tpu.memory_space<hbm>>
    %dma_start3A_80 = arith.constant 0 : i32
    %dma_start3A_81 = tpu.memref_slice %arg3[%add3A_74, %dma_start3A_80] : memref<8192x1024xf32, #tpu.memory_space<hbm>> -> memref<24x1024xf32, #tpu.memory_space<hbm>>
    %dma_start3A_82 = arith.constant 0 : i32
    %dma_start3A_83 = arith.constant 0 : i32
    %dma_start3A_84 = tpu.memref_slice %arg4[%dma_start3A_82, %dma_start3A_83] : memref<24x1024xf32, #tpu.memory_space<vmem>> -> memref<24x1024xf32, #tpu.memory_space<vmem>>
    tpu.enqueue_dma source(%dma_start3A_84 : memref<24x1024xf32, #tpu.memory_space<vmem>>) target(%dma_start3A_81 : memref<24x1024xf32, #tpu.memory_space<hbm>>) target_semaphore(%arg14 : memref<!tpu.dma_semaphore, #tpu.memory_space<semaphore_mem>>)
    %add3A_85 = arith.constant 24 : i32
    %add3A_86 = arith.addi %mul3A_2, %add3A_85 : i32
    %dma_wait3A_87 = arith.constant 0 : i32
    %dma_wait3A_88 = arith.constant 0 : i32
    %dma_wait3A_89 = tpu.memref_slice %arg5[%dma_wait3A_87, %dma_wait3A_88] : memref<24x1024xf32, #tpu.memory_space<vmem>> -> memref<24x1024xf32, #tpu.memory_space<vmem>>
    %dma_wait3A_90 = arith.constant 0 : i32
    %dma_wait3A_91 = tpu.memref_slice %arg2[%add3A_86, %dma_wait3A_90] : memref<8192x1024xf32, #tpu.memory_space<hbm>> -> memref<24x1024xf32, #tpu.memory_space<hbm>>
    %dma_wait3A_92 = arith.constant 0 : i32
    %dma_wait3A_93 = arith.constant 0 : i32
    %dma_wait3A_94 = tpu.memref_slice %arg5[%dma_wait3A_92, %dma_wait3A_93] : memref<24x1024xf32, #tpu.memory_space<vmem>> -> memref<24x1024xf32, #tpu.memory_space<vmem>>
    %dma_wait3A_95 = arith.constant 0 : i32
    %dma_wait3A_96 = tpu.memref_slice %arg2[%add3A_86, %dma_wait3A_95] : memref<8192x1024xf32, #tpu.memory_space<hbm>> -> memref<24x1024xf32, #tpu.memory_space<hbm>>
    tpu.wait_dma2 semaphore(%arg10 : memref<!tpu.dma_semaphore, #tpu.memory_space<semaphore_mem>>) src(%dma_wait3A_96 : memref<24x1024xf32, #tpu.memory_space<hbm>>) dst(%dma_wait3A_94 : memref<24x1024xf32, #tpu.memory_space<vmem>>)
    %add3A_97 = arith.constant 24 : i32
    %add3A_98 = arith.addi %mul3A_2, %add3A_97 : i32
    %dma_start3A_99 = arith.constant 0 : i32
    %dma_start3A_100 = arith.constant 0 : i32
    %dma_start3A_101 = tpu.memref_slice %arg5[%dma_start3A_99, %dma_start3A_100] : memref<24x1024xf32, #tpu.memory_space<vmem>> -> memref<24x1024xf32, #tpu.memory_space<vmem>>
    %dma_start3A_102 = arith.constant 0 : i32
    %dma_start3A_103 = tpu.memref_slice %arg3[%add3A_98, %dma_start3A_102] : memref<8192x1024xf32, #tpu.memory_space<hbm>> -> memref<24x1024xf32, #tpu.memory_space<hbm>>
    %dma_start3A_104 = arith.constant 0 : i32
    %dma_start3A_105 = tpu.memref_slice %arg3[%add3A_98, %dma_start3A_104] : memref<8192x1024xf32, #tpu.memory_space<hbm>> -> memref<24x1024xf32, #tpu.memory_space<hbm>>
    %dma_start3A_106 = arith.constant 0 : i32
    %dma_start3A_107 = arith.constant 0 : i32
    %dma_start3A_108 = tpu.memref_slice %arg5[%dma_start3A_106, %dma_start3A_107] : memref<24x1024xf32, #tpu.memory_space<vmem>> -> memref<24x1024xf32, #tpu.memory_space<vmem>>
    tpu.enqueue_dma source(%dma_start3A_108 : memref<24x1024xf32, #tpu.memory_space<vmem>>) target(%dma_start3A_105 : memref<24x1024xf32, #tpu.memory_space<hbm>>) target_semaphore(%arg15 : memref<!tpu.dma_semaphore, #tpu.memory_space<semaphore_mem>>)
    %add3A_109 = arith.constant 0 : i32
    %add3A_110 = arith.addi %mul3A_2, %add3A_109 : i32
    %dma_wait3A_111 = arith.constant 0 : i32
    %dma_wait3A_112 = arith.constant 0 : i32
    %dma_wait3A_113 = tpu.memref_slice %arg4[%dma_wait3A_111, %dma_wait3A_112] : memref<24x1024xf32, #tpu.memory_space<vmem>> -> memref<24x1024xf32, #tpu.memory_space<vmem>>
    %dma_wait3A_114 = arith.constant 0 : i32
    %dma_wait3A_115 = tpu.memref_slice %arg3[%add3A_110, %dma_wait3A_114] : memref<8192x1024xf32, #tpu.memory_space<hbm>> -> memref<24x1024xf32, #tpu.memory_space<hbm>>
    %dma_wait3A_116 = arith.constant 0 : i32
    %dma_wait3A_117 = tpu.memref_slice %arg3[%add3A_110, %dma_wait3A_116] : memref<8192x1024xf32, #tpu.memory_space<hbm>> -> memref<24x1024xf32, #tpu.memory_space<hbm>>
    %dma_wait3A_118 = arith.constant 0 : i32
    %dma_wait3A_119 = arith.constant 0 : i32
    %dma_wait3A_120 = tpu.memref_slice %arg4[%dma_wait3A_118, %dma_wait3A_119] : memref<24x1024xf32, #tpu.memory_space<vmem>> -> memref<24x1024xf32, #tpu.memory_space<vmem>>
    tpu.wait_dma2 semaphore(%arg14 : memref<!tpu.dma_semaphore, #tpu.memory_space<semaphore_mem>>) src(%dma_wait3A_120 : memref<24x1024xf32, #tpu.memory_space<vmem>>) dst(%dma_wait3A_117 : memref<24x1024xf32, #tpu.memory_space<hbm>>)
    %add3A_121 = arith.constant 120 : i32
    %add3A_122 = arith.addi %mul3A_2, %add3A_121 : i32
    %dma_start3A_123 = arith.constant 0 : i32
    %dma_start3A_124 = arith.constant 0 : i32
    %dma_start3A_125 = tpu.memref_slice %arg4[%dma_start3A_123, %dma_start3A_124] : memref<24x1024xf32, #tpu.memory_space<vmem>> -> memref<24x1024xf32, #tpu.memory_space<vmem>>
    %dma_start3A_126 = arith.constant 0 : i32
    %dma_start3A_127 = tpu.memref_slice %arg2[%add3A_122, %dma_start3A_126] : memref<8192x1024xf32, #tpu.memory_space<hbm>> -> memref<24x1024xf32, #tpu.memory_space<hbm>>
    %dma_start3A_128 = arith.constant 0 : i32
    %dma_start3A_129 = arith.constant 0 : i32
    %dma_start3A_130 = tpu.memref_slice %arg4[%dma_start3A_128, %dma_start3A_129] : memref<24x1024xf32, #tpu.memory_space<vmem>> -> memref<24x1024xf32, #tpu.memory_space<vmem>>
    %dma_start3A_131 = arith.constant 0 : i32
    %dma_start3A_132 = tpu.memref_slice %arg2[%add3A_122, %dma_start3A_131] : memref<8192x1024xf32, #tpu.memory_space<hbm>> -> memref<24x1024xf32, #tpu.memory_space<hbm>>
    tpu.enqueue_dma source(%dma_start3A_132 : memref<24x1024xf32, #tpu.memory_space<hbm>>) target(%dma_start3A_130 : memref<24x1024xf32, #tpu.memory_space<vmem>>) target_semaphore(%arg9 : memref<!tpu.dma_semaphore, #tpu.memory_space<semaphore_mem>>)
    %add3A_133 = arith.constant 48 : i32
    %add3A_134 = arith.addi %mul3A_2, %add3A_133 : i32
    %dma_wait3A_135 = arith.constant 0 : i32
    %dma_wait3A_136 = arith.constant 0 : i32
    %dma_wait3A_137 = tpu.memref_slice %arg6[%dma_wait3A_135, %dma_wait3A_136] : memref<24x1024xf32, #tpu.memory_space<vmem>> -> memref<24x1024xf32, #tpu.memory_space<vmem>>
    %dma_wait3A_138 = arith.constant 0 : i32
    %dma_wait3A_139 = tpu.memref_slice %arg2[%add3A_134, %dma_wait3A_138] : memref<8192x1024xf32, #tpu.memory_space<hbm>> -> memref<24x1024xf32, #tpu.memory_space<hbm>>
    %dma_wait3A_140 = arith.constant 0 : i32
    %dma_wait3A_141 = arith.constant 0 : i32
    %dma_wait3A_142 = tpu.memref_slice %arg6[%dma_wait3A_140, %dma_wait3A_141] : memref<24x1024xf32, #tpu.memory_space<vmem>> -> memref<24x1024xf32, #tpu.memory_space<vmem>>
    %dma_wait3A_143 = arith.constant 0 : i32
    %dma_wait3A_144 = tpu.memref_slice %arg2[%add3A_134, %dma_wait3A_143] : memref<8192x1024xf32, #tpu.memory_space<hbm>> -> memref<24x1024xf32, #tpu.memory_space<hbm>>
    tpu.wait_dma2 semaphore(%arg11 : memref<!tpu.dma_semaphore, #tpu.memory_space<semaphore_mem>>) src(%dma_wait3A_144 : memref<24x1024xf32, #tpu.memory_space<hbm>>) dst(%dma_wait3A_142 : memref<24x1024xf32, #tpu.memory_space<vmem>>)
    %add3A_145 = arith.constant 48 : i32
    %add3A_146 = arith.addi %mul3A_2, %add3A_145 : i32
    %dma_start3A_147 = arith.constant 0 : i32
    %dma_start3A_148 = arith.constant 0 : i32
    %dma_start3A_149 = tpu.memref_slice %arg6[%dma_start3A_147, %dma_start3A_148] : memref<24x1024xf32, #tpu.memory_space<vmem>> -> memref<24x1024xf32, #tpu.memory_space<vmem>>
    %dma_start3A_150 = arith.constant 0 : i32
    %dma_start3A_151 = tpu.memref_slice %arg3[%add3A_146, %dma_start3A_150] : memref<8192x1024xf32, #tpu.memory_space<hbm>> -> memref<24x1024xf32, #tpu.memory_space<hbm>>
    %dma_start3A_152 = arith.constant 0 : i32
    %dma_start3A_153 = tpu.memref_slice %arg3[%add3A_146, %dma_start3A_152] : memref<8192x1024xf32, #tpu.memory_space<hbm>> -> memref<24x1024xf32, #tpu.memory_space<hbm>>
    %dma_start3A_154 = arith.constant 0 : i32
    %dma_start3A_155 = arith.constant 0 : i32
    %dma_start3A_156 = tpu.memref_slice %arg6[%dma_start3A_154, %dma_start3A_155] : memref<24x1024xf32, #tpu.memory_space<vmem>> -> memref<24x1024xf32, #tpu.memory_space<vmem>>
    tpu.enqueue_dma source(%dma_start3A_156 : memref<24x1024xf32, #tpu.memory_space<vmem>>) target(%dma_start3A_153 : memref<24x1024xf32, #tpu.memory_space<hbm>>) target_semaphore(%arg16 : memref<!tpu.dma_semaphore, #tpu.memory_space<semaphore_mem>>)
    %add3A_157 = arith.constant 24 : i32
    %add3A_158 = arith.addi %mul3A_2, %add3A_157 : i32
    %dma_wait3A_159 = arith.constant 0 : i32
    %dma_wait3A_160 = arith.constant 0 : i32
    %dma_wait3A_161 = tpu.memref_slice %arg5[%dma_wait3A_159, %dma_wait3A_160] : memref<24x1024xf32, #tpu.memory_space<vmem>> -> memref<24x1024xf32, #tpu.memory_space<vmem>>
    %dma_wait3A_162 = arith.constant 0 : i32
    %dma_wait3A_163 = tpu.memref_slice %arg3[%add3A_158, %dma_wait3A_162] : memref<8192x1024xf32, #tpu.memory_space<hbm>> -> memref<24x1024xf32, #tpu.memory_space<hbm>>
    %dma_wait3A_164 = arith.constant 0 : i32
    %dma_wait3A_165 = tpu.memref_slice %arg3[%add3A_158, %dma_wait3A_164] : memref<8192x1024xf32, #tpu.memory_space<hbm>> -> memref<24x1024xf32, #tpu.memory_space<hbm>>
    %dma_wait3A_166 = arith.constant 0 : i32
    %dma_wait3A_167 = arith.constant 0 : i32
    %dma_wait3A_168 = tpu.memref_slice %arg5[%dma_wait3A_166, %dma_wait3A_167] : memref<24x1024xf32, #tpu.memory_space<vmem>> -> memref<24x1024xf32, #tpu.memory_space<vmem>>
    tpu.wait_dma2 semaphore(%arg15 : memref<!tpu.dma_semaphore, #tpu.memory_space<semaphore_mem>>) src(%dma_wait3A_168 : memref<24x1024xf32, #tpu.memory_space<vmem>>) dst(%dma_wait3A_165 : memref<24x1024xf32, #tpu.memory_space<hbm>>)
    %add3A_169 = arith.constant 144 : i32
    %add3A_170 = arith.addi %mul3A_2, %add3A_169 : i32
    %dma_start3A_171 = arith.constant 0 : i32
    %dma_start3A_172 = arith.constant 0 : i32
    %dma_start3A_173 = tpu.memref_slice %arg5[%dma_start3A_171, %dma_start3A_172] : memref<24x1024xf32, #tpu.memory_space<vmem>> -> memref<24x1024xf32, #tpu.memory_space<vmem>>
    %dma_start3A_174 = arith.constant 0 : i32
    %dma_start3A_175 = tpu.memref_slice %arg2[%add3A_170, %dma_start3A_174] : memref<8192x1024xf32, #tpu.memory_space<hbm>> -> memref<24x1024xf32, #tpu.memory_space<hbm>>
    %dma_start3A_176 = arith.constant 0 : i32
    %dma_start3A_177 = arith.constant 0 : i32
    %dma_start3A_178 = tpu.memref_slice %arg5[%dma_start3A_176, %dma_start3A_177] : memref<24x1024xf32, #tpu.memory_space<vmem>> -> memref<24x1024xf32, #tpu.memory_space<vmem>>
    %dma_start3A_179 = arith.constant 0 : i32
    %dma_start3A_180 = tpu.memref_slice %arg2[%add3A_170, %dma_start3A_179] : memref<8192x1024xf32, #tpu.memory_space<hbm>> -> memref<24x1024xf32, #tpu.memory_space<hbm>>
    tpu.enqueue_dma source(%dma_start3A_180 : memref<24x1024xf32, #tpu.memory_space<hbm>>) target(%dma_start3A_178 : memref<24x1024xf32, #tpu.memory_space<vmem>>) target_semaphore(%arg10 : memref<!tpu.dma_semaphore, #tpu.memory_space<semaphore_mem>>)
    %add3A_181 = arith.constant 72 : i32
    %add3A_182 = arith.addi %mul3A_2, %add3A_181 : i32
    %dma_wait3A_183 = arith.constant 0 : i32
    %dma_wait3A_184 = arith.constant 0 : i32
    %dma_wait3A_185 = tpu.memref_slice %arg7[%dma_wait3A_183, %dma_wait3A_184] : memref<24x1024xf32, #tpu.memory_space<vmem>> -> memref<24x1024xf32, #tpu.memory_space<vmem>>
    %dma_wait3A_186 = arith.constant 0 : i32
    %dma_wait3A_187 = tpu.memref_slice %arg2[%add3A_182, %dma_wait3A_186] : memref<8192x1024xf32, #tpu.memory_space<hbm>> -> memref<24x1024xf32, #tpu.memory_space<hbm>>
    %dma_wait3A_188 = arith.constant 0 : i32
    %dma_wait3A_189 = arith.constant 0 : i32
    %dma_wait3A_190 = tpu.memref_slice %arg7[%dma_wait3A_188, %dma_wait3A_189] : memref<24x1024xf32, #tpu.memory_space<vmem>> -> memref<24x1024xf32, #tpu.memory_space<vmem>>
    %dma_wait3A_191 = arith.constant 0 : i32
    %dma_wait3A_192 = tpu.memref_slice %arg2[%add3A_182, %dma_wait3A_191] : memref<8192x1024xf32, #tpu.memory_space<hbm>> -> memref<24x1024xf32, #tpu.memory_space<hbm>>
    tpu.wait_dma2 semaphore(%arg12 : memref<!tpu.dma_semaphore, #tpu.memory_space<semaphore_mem>>) src(%dma_wait3A_192 : memref<24x1024xf32, #tpu.memory_space<hbm>>) dst(%dma_wait3A_190 : memref<24x1024xf32, #tpu.memory_space<vmem>>)
    %add3A_193 = arith.constant 72 : i32
    %add3A_194 = arith.addi %mul3A_2, %add3A_193 : i32
    %dma_start3A_195 = arith.constant 0 : i32
    %dma_start3A_196 = arith.constant 0 : i32
    %dma_start3A_197 = tpu.memref_slice %arg7[%dma_start3A_195, %dma_start3A_196] : memref<24x1024xf32, #tpu.memory_space<vmem>> -> memref<24x1024xf32, #tpu.memory_space<vmem>>
    %dma_start3A_198 = arith.constant 0 : i32
    %dma_start3A_199 = tpu.memref_slice %arg3[%add3A_194, %dma_start3A_198] : memref<8192x1024xf32, #tpu.memory_space<hbm>> -> memref<24x1024xf32, #tpu.memory_space<hbm>>
    %dma_start3A_200 = arith.constant 0 : i32
    %dma_start3A_201 = tpu.memref_slice %arg3[%add3A_194, %dma_start3A_200] : memref<8192x1024xf32, #tpu.memory_space<hbm>> -> memref<24x1024xf32, #tpu.memory_space<hbm>>
    %dma_start3A_202 = arith.constant 0 : i32
    %dma_start3A_203 = arith.constant 0 : i32
    %dma_start3A_204 = tpu.memref_slice %arg7[%dma_start3A_202, %dma_start3A_203] : memref<24x1024xf32, #tpu.memory_space<vmem>> -> memref<24x1024xf32, #tpu.memory_space<vmem>>
    tpu.enqueue_dma source(%dma_start3A_204 : memref<24x1024xf32, #tpu.memory_space<vmem>>) target(%dma_start3A_201 : memref<24x1024xf32, #tpu.memory_space<hbm>>) target_semaphore(%arg17 : memref<!tpu.dma_semaphore, #tpu.memory_space<semaphore_mem>>)
    %add3A_205 = arith.constant 48 : i32
    %add3A_206 = arith.addi %mul3A_2, %add3A_205 : i32
    %dma_wait3A_207 = arith.constant 0 : i32
    %dma_wait3A_208 = arith.constant 0 : i32
    %dma_wait3A_209 = tpu.memref_slice %arg6[%dma_wait3A_207, %dma_wait3A_208] : memref<24x1024xf32, #tpu.memory_space<vmem>> -> memref<24x1024xf32, #tpu.memory_space<vmem>>
    %dma_wait3A_210 = arith.constant 0 : i32
    %dma_wait3A_211 = tpu.memref_slice %arg3[%add3A_206, %dma_wait3A_210] : memref<8192x1024xf32, #tpu.memory_space<hbm>> -> memref<24x1024xf32, #tpu.memory_space<hbm>>
    %dma_wait3A_212 = arith.constant 0 : i32
    %dma_wait3A_213 = tpu.memref_slice %arg3[%add3A_206, %dma_wait3A_212] : memref<8192x1024xf32, #tpu.memory_space<hbm>> -> memref<24x1024xf32, #tpu.memory_space<hbm>>
    %dma_wait3A_214 = arith.constant 0 : i32
    %dma_wait3A_215 = arith.constant 0 : i32
    %dma_wait3A_216 = tpu.memref_slice %arg6[%dma_wait3A_214, %dma_wait3A_215] : memref<24x1024xf32, #tpu.memory_space<vmem>> -> memref<24x1024xf32, #tpu.memory_space<vmem>>
    tpu.wait_dma2 semaphore(%arg16 : memref<!tpu.dma_semaphore, #tpu.memory_space<semaphore_mem>>) src(%dma_wait3A_216 : memref<24x1024xf32, #tpu.memory_space<vmem>>) dst(%dma_wait3A_213 : memref<24x1024xf32, #tpu.memory_space<hbm>>)
    %add3A_217 = arith.constant 168 : i32
    %add3A_218 = arith.addi %mul3A_2, %add3A_217 : i32
    %dma_start3A_219 = arith.constant 0 : i32
    %dma_start3A_220 = arith.constant 0 : i32
    %dma_start3A_221 = tpu.memref_slice %arg6[%dma_start3A_219, %dma_start3A_220] : memref<24x1024xf32, #tpu.memory_space<vmem>> -> memref<24x1024xf32, #tpu.memory_space<vmem>>
    %dma_start3A_222 = arith.constant 0 : i32
    %dma_start3A_223 = tpu.memref_slice %arg2[%add3A_218, %dma_start3A_222] : memref<8192x1024xf32, #tpu.memory_space<hbm>> -> memref<24x1024xf32, #tpu.memory_space<hbm>>
    %dma_start3A_224 = arith.constant 0 : i32
    %dma_start3A_225 = arith.constant 0 : i32
    %dma_start3A_226 = tpu.memref_slice %arg6[%dma_start3A_224, %dma_start3A_225] : memref<24x1024xf32, #tpu.memory_space<vmem>> -> memref<24x1024xf32, #tpu.memory_space<vmem>>
    %dma_start3A_227 = arith.constant 0 : i32
    %dma_start3A_228 = tpu.memref_slice %arg2[%add3A_218, %dma_start3A_227] : memref<8192x1024xf32, #tpu.memory_space<hbm>> -> memref<24x1024xf32, #tpu.memory_space<hbm>>
    tpu.enqueue_dma source(%dma_start3A_228 : memref<24x1024xf32, #tpu.memory_space<hbm>>) target(%dma_start3A_226 : memref<24x1024xf32, #tpu.memory_space<vmem>>) target_semaphore(%arg11 : memref<!tpu.dma_semaphore, #tpu.memory_space<semaphore_mem>>)
    %add3A_229 = arith.constant 96 : i32
    %add3A_230 = arith.addi %mul3A_2, %add3A_229 : i32
    %dma_wait3A_231 = arith.constant 0 : i32
    %dma_wait3A_232 = arith.constant 0 : i32
    %dma_wait3A_233 = tpu.memref_slice %arg8[%dma_wait3A_231, %dma_wait3A_232] : memref<24x1024xf32, #tpu.memory_space<vmem>> -> memref<24x1024xf32, #tpu.memory_space<vmem>>
    %dma_wait3A_234 = arith.constant 0 : i32
    %dma_wait3A_235 = tpu.memref_slice %arg2[%add3A_230, %dma_wait3A_234] : memref<8192x1024xf32, #tpu.memory_space<hbm>> -> memref<24x1024xf32, #tpu.memory_space<hbm>>
    %dma_wait3A_236 = arith.constant 0 : i32
    %dma_wait3A_237 = arith.constant 0 : i32
    %dma_wait3A_238 = tpu.memref_slice %arg8[%dma_wait3A_236, %dma_wait3A_237] : memref<24x1024xf32, #tpu.memory_space<vmem>> -> memref<24x1024xf32, #tpu.memory_space<vmem>>
    %dma_wait3A_239 = arith.constant 0 : i32
    %dma_wait3A_240 = tpu.memref_slice %arg2[%add3A_230, %dma_wait3A_239] : memref<8192x1024xf32, #tpu.memory_space<hbm>> -> memref<24x1024xf32, #tpu.memory_space<hbm>>
    tpu.wait_dma2 semaphore(%arg13 : memref<!tpu.dma_semaphore, #tpu.memory_space<semaphore_mem>>) src(%dma_wait3A_240 : memref<24x1024xf32, #tpu.memory_space<hbm>>) dst(%dma_wait3A_238 : memref<24x1024xf32, #tpu.memory_space<vmem>>)
    %add3A_241 = arith.constant 96 : i32
    %add3A_242 = arith.addi %mul3A_2, %add3A_241 : i32
    %dma_start3A_243 = arith.constant 0 : i32
    %dma_start3A_244 = arith.constant 0 : i32
    %dma_start3A_245 = tpu.memref_slice %arg8[%dma_start3A_243, %dma_start3A_244] : memref<24x1024xf32, #tpu.memory_space<vmem>> -> memref<24x1024xf32, #tpu.memory_space<vmem>>
    %dma_start3A_246 = arith.constant 0 : i32
    %dma_start3A_247 = tpu.memref_slice %arg3[%add3A_242, %dma_start3A_246] : memref<8192x1024xf32, #tpu.memory_space<hbm>> -> memref<24x1024xf32, #tpu.memory_space<hbm>>
    %dma_start3A_248 = arith.constant 0 : i32
    %dma_start3A_249 = tpu.memref_slice %arg3[%add3A_242, %dma_start3A_248] : memref<8192x1024xf32, #tpu.memory_space<hbm>> -> memref<24x1024xf32, #tpu.memory_space<hbm>>
    %dma_start3A_250 = arith.constant 0 : i32
    %dma_start3A_251 = arith.constant 0 : i32
    %dma_start3A_252 = tpu.memref_slice %arg8[%dma_start3A_250, %dma_start3A_251] : memref<24x1024xf32, #tpu.memory_space<vmem>> -> memref<24x1024xf32, #tpu.memory_space<vmem>>
    tpu.enqueue_dma source(%dma_start3A_252 : memref<24x1024xf32, #tpu.memory_space<vmem>>) target(%dma_start3A_249 : memref<24x1024xf32, #tpu.memory_space<hbm>>) target_semaphore(%arg18 : memref<!tpu.dma_semaphore, #tpu.memory_space<semaphore_mem>>)
    %add3A_253 = arith.constant 72 : i32
    %add3A_254 = arith.addi %mul3A_2, %add3A_253 : i32
    %dma_wait3A_255 = arith.constant 0 : i32
    %dma_wait3A_256 = arith.constant 0 : i32
    %dma_wait3A_257 = tpu.memref_slice %arg7[%dma_wait3A_255, %dma_wait3A_256] : memref<24x1024xf32, #tpu.memory_space<vmem>> -> memref<24x1024xf32, #tpu.memory_space<vmem>>
    %dma_wait3A_258 = arith.constant 0 : i32
    %dma_wait3A_259 = tpu.memref_slice %arg3[%add3A_254, %dma_wait3A_258] : memref<8192x1024xf32, #tpu.memory_space<hbm>> -> memref<24x1024xf32, #tpu.memory_space<hbm>>
    %dma_wait3A_260 = arith.constant 0 : i32
    %dma_wait3A_261 = tpu.memref_slice %arg3[%add3A_254, %dma_wait3A_260] : memref<8192x1024xf32, #tpu.memory_space<hbm>> -> memref<24x1024xf32, #tpu.memory_space<hbm>>
    %dma_wait3A_262 = arith.constant 0 : i32
    %dma_wait3A_263 = arith.constant 0 : i32
    %dma_wait3A_264 = tpu.memref_slice %arg7[%dma_wait3A_262, %dma_wait3A_263] : memref<24x1024xf32, #tpu.memory_space<vmem>> -> memref<24x1024xf32, #tpu.memory_space<vmem>>
    tpu.wait_dma2 semaphore(%arg17 : memref<!tpu.dma_semaphore, #tpu.memory_space<semaphore_mem>>) src(%dma_wait3A_264 : memref<24x1024xf32, #tpu.memory_space<vmem>>) dst(%dma_wait3A_261 : memref<24x1024xf32, #tpu.memory_space<hbm>>)
    %add3A_265 = arith.constant 192 : i32
    %add3A_266 = arith.addi %mul3A_2, %add3A_265 : i32
    %dma_start3A_267 = arith.constant 0 : i32
    %dma_start3A_268 = arith.constant 0 : i32
    %dma_start3A_269 = tpu.memref_slice %arg7[%dma_start3A_267, %dma_start3A_268] : memref<24x1024xf32, #tpu.memory_space<vmem>> -> memref<24x1024xf32, #tpu.memory_space<vmem>>
    %dma_start3A_270 = arith.constant 0 : i32
    %dma_start3A_271 = tpu.memref_slice %arg2[%add3A_266, %dma_start3A_270] : memref<8192x1024xf32, #tpu.memory_space<hbm>> -> memref<24x1024xf32, #tpu.memory_space<hbm>>
    %dma_start3A_272 = arith.constant 0 : i32
    %dma_start3A_273 = arith.constant 0 : i32
    %dma_start3A_274 = tpu.memref_slice %arg7[%dma_start3A_272, %dma_start3A_273] : memref<24x1024xf32, #tpu.memory_space<vmem>> -> memref<24x1024xf32, #tpu.memory_space<vmem>>
    %dma_start3A_275 = arith.constant 0 : i32
    %dma_start3A_276 = tpu.memref_slice %arg2[%add3A_266, %dma_start3A_275] : memref<8192x1024xf32, #tpu.memory_space<hbm>> -> memref<24x1024xf32, #tpu.memory_space<hbm>>
    tpu.enqueue_dma source(%dma_start3A_276 : memref<24x1024xf32, #tpu.memory_space<hbm>>) target(%dma_start3A_274 : memref<24x1024xf32, #tpu.memory_space<vmem>>) target_semaphore(%arg12 : memref<!tpu.dma_semaphore, #tpu.memory_space<semaphore_mem>>)
    %add3A_277 = arith.constant 120 : i32
    %add3A_278 = arith.addi %mul3A_2, %add3A_277 : i32
    %dma_wait3A_279 = arith.constant 0 : i32
    %dma_wait3A_280 = arith.constant 0 : i32
    %dma_wait3A_281 = tpu.memref_slice %arg4[%dma_wait3A_279, %dma_wait3A_280] : memref<24x1024xf32, #tpu.memory_space<vmem>> -> memref<24x1024xf32, #tpu.memory_space<vmem>>
    %dma_wait3A_282 = arith.constant 0 : i32
    %dma_wait3A_283 = tpu.memref_slice %arg2[%add3A_278, %dma_wait3A_282] : memref<8192x1024xf32, #tpu.memory_space<hbm>> -> memref<24x1024xf32, #tpu.memory_space<hbm>>
    %dma_wait3A_284 = arith.constant 0 : i32
    %dma_wait3A_285 = arith.constant 0 : i32
    %dma_wait3A_286 = tpu.memref_slice %arg4[%dma_wait3A_284, %dma_wait3A_285] : memref<24x1024xf32, #tpu.memory_space<vmem>> -> memref<24x1024xf32, #tpu.memory_space<vmem>>
    %dma_wait3A_287 = arith.constant 0 : i32
    %dma_wait3A_288 = tpu.memref_slice %arg2[%add3A_278, %dma_wait3A_287] : memref<8192x1024xf32, #tpu.memory_space<hbm>> -> memref<24x1024xf32, #tpu.memory_space<hbm>>
    tpu.wait_dma2 semaphore(%arg9 : memref<!tpu.dma_semaphore, #tpu.memory_space<semaphore_mem>>) src(%dma_wait3A_288 : memref<24x1024xf32, #tpu.memory_space<hbm>>) dst(%dma_wait3A_286 : memref<24x1024xf32, #tpu.memory_space<vmem>>)
    %add3A_289 = arith.constant 120 : i32
    %add3A_290 = arith.addi %mul3A_2, %add3A_289 : i32
    %dma_start3A_291 = arith.constant 0 : i32
    %dma_start3A_292 = arith.constant 0 : i32
    %dma_start3A_293 = tpu.memref_slice %arg4[%dma_start3A_291, %dma_start3A_292] : memref<24x1024xf32, #tpu.memory_space<vmem>> -> memref<24x1024xf32, #tpu.memory_space<vmem>>
    %dma_start3A_294 = arith.constant 0 : i32
    %dma_start3A_295 = tpu.memref_slice %arg3[%add3A_290, %dma_start3A_294] : memref<8192x1024xf32, #tpu.memory_space<hbm>> -> memref<24x1024xf32, #tpu.memory_space<hbm>>
    %dma_start3A_296 = arith.constant 0 : i32
    %dma_start3A_297 = tpu.memref_slice %arg3[%add3A_290, %dma_start3A_296] : memref<8192x1024xf32, #tpu.memory_space<hbm>> -> memref<24x1024xf32, #tpu.memory_space<hbm>>
    %dma_start3A_298 = arith.constant 0 : i32
    %dma_start3A_299 = arith.constant 0 : i32
    %dma_start3A_300 = tpu.memref_slice %arg4[%dma_start3A_298, %dma_start3A_299] : memref<24x1024xf32, #tpu.memory_space<vmem>> -> memref<24x1024xf32, #tpu.memory_space<vmem>>
    tpu.enqueue_dma source(%dma_start3A_300 : memref<24x1024xf32, #tpu.memory_space<vmem>>) target(%dma_start3A_297 : memref<24x1024xf32, #tpu.memory_space<hbm>>) target_semaphore(%arg14 : memref<!tpu.dma_semaphore, #tpu.memory_space<semaphore_mem>>)
    %add3A_301 = arith.constant 96 : i32
    %add3A_302 = arith.addi %mul3A_2, %add3A_301 : i32
    %dma_wait3A_303 = arith.constant 0 : i32
    %dma_wait3A_304 = arith.constant 0 : i32
    %dma_wait3A_305 = tpu.memref_slice %arg8[%dma_wait3A_303, %dma_wait3A_304] : memref<24x1024xf32, #tpu.memory_space<vmem>> -> memref<24x1024xf32, #tpu.memory_space<vmem>>
    %dma_wait3A_306 = arith.constant 0 : i32
    %dma_wait3A_307 = tpu.memref_slice %arg3[%add3A_302, %dma_wait3A_306] : memref<8192x1024xf32, #tpu.memory_space<hbm>> -> memref<24x1024xf32, #tpu.memory_space<hbm>>
    %dma_wait3A_308 = arith.constant 0 : i32
    %dma_wait3A_309 = tpu.memref_slice %arg3[%add3A_302, %dma_wait3A_308] : memref<8192x1024xf32, #tpu.memory_space<hbm>> -> memref<24x1024xf32, #tpu.memory_space<hbm>>
    %dma_wait3A_310 = arith.constant 0 : i32
    %dma_wait3A_311 = arith.constant 0 : i32
    %dma_wait3A_312 = tpu.memref_slice %arg8[%dma_wait3A_310, %dma_wait3A_311] : memref<24x1024xf32, #tpu.memory_space<vmem>> -> memref<24x1024xf32, #tpu.memory_space<vmem>>
    tpu.wait_dma2 semaphore(%arg18 : memref<!tpu.dma_semaphore, #tpu.memory_space<semaphore_mem>>) src(%dma_wait3A_312 : memref<24x1024xf32, #tpu.memory_space<vmem>>) dst(%dma_wait3A_309 : memref<24x1024xf32, #tpu.memory_space<hbm>>)
    %add3A_313 = arith.constant 216 : i32
    %add3A_314 = arith.addi %mul3A_2, %add3A_313 : i32
    %dma_start3A_315 = arith.constant 0 : i32
    %dma_start3A_316 = arith.constant 0 : i32
    %dma_start3A_317 = tpu.memref_slice %arg8[%dma_start3A_315, %dma_start3A_316] : memref<24x1024xf32, #tpu.memory_space<vmem>> -> memref<24x1024xf32, #tpu.memory_space<vmem>>
    %dma_start3A_318 = arith.constant 0 : i32
    %dma_start3A_319 = tpu.memref_slice %arg2[%add3A_314, %dma_start3A_318] : memref<8192x1024xf32, #tpu.memory_space<hbm>> -> memref<24x1024xf32, #tpu.memory_space<hbm>>
    %dma_start3A_320 = arith.constant 0 : i32
    %dma_start3A_321 = arith.constant 0 : i32
    %dma_start3A_322 = tpu.memref_slice %arg8[%dma_start3A_320, %dma_start3A_321] : memref<24x1024xf32, #tpu.memory_space<vmem>> -> memref<24x1024xf32, #tpu.memory_space<vmem>>
    %dma_start3A_323 = arith.constant 0 : i32
    %dma_start3A_324 = tpu.memref_slice %arg2[%add3A_314, %dma_start3A_323] : memref<8192x1024xf32, #tpu.memory_space<hbm>> -> memref<24x1024xf32, #tpu.memory_space<hbm>>
    tpu.enqueue_dma source(%dma_start3A_324 : memref<24x1024xf32, #tpu.memory_space<hbm>>) target(%dma_start3A_322 : memref<24x1024xf32, #tpu.memory_space<vmem>>) target_semaphore(%arg13 : memref<!tpu.dma_semaphore, #tpu.memory_space<semaphore_mem>>)
    %add3A_325 = arith.constant 144 : i32
    %add3A_326 = arith.addi %mul3A_2, %add3A_325 : i32
    %dma_wait3A_327 = arith.constant 0 : i32
    %dma_wait3A_328 = arith.constant 0 : i32
    %dma_wait3A_329 = tpu.memref_slice %arg5[%dma_wait3A_327, %dma_wait3A_328] : memref<24x1024xf32, #tpu.memory_space<vmem>> -> memref<24x1024xf32, #tpu.memory_space<vmem>>
    %dma_wait3A_330 = arith.constant 0 : i32
    %dma_wait3A_331 = tpu.memref_slice %arg2[%add3A_326, %dma_wait3A_330] : memref<8192x1024xf32, #tpu.memory_space<hbm>> -> memref<24x1024xf32, #tpu.memory_space<hbm>>
    %dma_wait3A_332 = arith.constant 0 : i32
    %dma_wait3A_333 = arith.constant 0 : i32
    %dma_wait3A_334 = tpu.memref_slice %arg5[%dma_wait3A_332, %dma_wait3A_333] : memref<24x1024xf32, #tpu.memory_space<vmem>> -> memref<24x1024xf32, #tpu.memory_space<vmem>>
    %dma_wait3A_335 = arith.constant 0 : i32
    %dma_wait3A_336 = tpu.memref_slice %arg2[%add3A_326, %dma_wait3A_335] : memref<8192x1024xf32, #tpu.memory_space<hbm>> -> memref<24x1024xf32, #tpu.memory_space<hbm>>
    tpu.wait_dma2 semaphore(%arg10 : memref<!tpu.dma_semaphore, #tpu.memory_space<semaphore_mem>>) src(%dma_wait3A_336 : memref<24x1024xf32, #tpu.memory_space<hbm>>) dst(%dma_wait3A_334 : memref<24x1024xf32, #tpu.memory_space<vmem>>)
    %add3A_337 = arith.constant 144 : i32
    %add3A_338 = arith.addi %mul3A_2, %add3A_337 : i32
    %dma_start3A_339 = arith.constant 0 : i32
    %dma_start3A_340 = arith.constant 0 : i32
    %dma_start3A_341 = tpu.memref_slice %arg5[%dma_start3A_339, %dma_start3A_340] : memref<24x1024xf32, #tpu.memory_space<vmem>> -> memref<24x1024xf32, #tpu.memory_space<vmem>>
    %dma_start3A_342 = arith.constant 0 : i32
    %dma_start3A_343 = tpu.memref_slice %arg3[%add3A_338, %dma_start3A_342] : memref<8192x1024xf32, #tpu.memory_space<hbm>> -> memref<24x1024xf32, #tpu.memory_space<hbm>>
    %dma_start3A_344 = arith.constant 0 : i32
    %dma_start3A_345 = tpu.memref_slice %arg3[%add3A_338, %dma_start3A_344] : memref<8192x1024xf32, #tpu.memory_space<hbm>> -> memref<24x1024xf32, #tpu.memory_space<hbm>>
    %dma_start3A_346 = arith.constant 0 : i32
    %dma_start3A_347 = arith.constant 0 : i32
    %dma_start3A_348 = tpu.memref_slice %arg5[%dma_start3A_346, %dma_start3A_347] : memref<24x1024xf32, #tpu.memory_space<vmem>> -> memref<24x1024xf32, #tpu.memory_space<vmem>>
    tpu.enqueue_dma source(%dma_start3A_348 : memref<24x1024xf32, #tpu.memory_space<vmem>>) target(%dma_start3A_345 : memref<24x1024xf32, #tpu.memory_space<hbm>>) target_semaphore(%arg15 : memref<!tpu.dma_semaphore, #tpu.memory_space<semaphore_mem>>)
    %add3A_349 = arith.constant 120 : i32
    %add3A_350 = arith.addi %mul3A_2, %add3A_349 : i32
    %dma_wait3A_351 = arith.constant 0 : i32
    %dma_wait3A_352 = arith.constant 0 : i32
    %dma_wait3A_353 = tpu.memref_slice %arg4[%dma_wait3A_351, %dma_wait3A_352] : memref<24x1024xf32, #tpu.memory_space<vmem>> -> memref<24x1024xf32, #tpu.memory_space<vmem>>
    %dma_wait3A_354 = arith.constant 0 : i32
    %dma_wait3A_355 = tpu.memref_slice %arg3[%add3A_350, %dma_wait3A_354] : memref<8192x1024xf32, #tpu.memory_space<hbm>> -> memref<24x1024xf32, #tpu.memory_space<hbm>>
    %dma_wait3A_356 = arith.constant 0 : i32
    %dma_wait3A_357 = tpu.memref_slice %arg3[%add3A_350, %dma_wait3A_356] : memref<8192x1024xf32, #tpu.memory_space<hbm>> -> memref<24x1024xf32, #tpu.memory_space<hbm>>
    %dma_wait3A_358 = arith.constant 0 : i32
    %dma_wait3A_359 = arith.constant 0 : i32
    %dma_wait3A_360 = tpu.memref_slice %arg4[%dma_wait3A_358, %dma_wait3A_359] : memref<24x1024xf32, #tpu.memory_space<vmem>> -> memref<24x1024xf32, #tpu.memory_space<vmem>>
    tpu.wait_dma2 semaphore(%arg14 : memref<!tpu.dma_semaphore, #tpu.memory_space<semaphore_mem>>) src(%dma_wait3A_360 : memref<24x1024xf32, #tpu.memory_space<vmem>>) dst(%dma_wait3A_357 : memref<24x1024xf32, #tpu.memory_space<hbm>>)
    %add3A_361 = arith.constant 240 : i32
    %add3A_362 = arith.addi %mul3A_2, %add3A_361 : i32
    %dma_start3A_363 = arith.constant 0 : i32
    %dma_start3A_364 = arith.constant 0 : i32
    %dma_start3A_365 = tpu.memref_slice %arg4[%dma_start3A_363, %dma_start3A_364] : memref<24x1024xf32, #tpu.memory_space<vmem>> -> memref<16x1024xf32, #tpu.memory_space<vmem>>
    %dma_start3A_366 = arith.constant 0 : i32
    %dma_start3A_367 = tpu.memref_slice %arg2[%add3A_362, %dma_start3A_366] : memref<8192x1024xf32, #tpu.memory_space<hbm>> -> memref<16x1024xf32, #tpu.memory_space<hbm>>
    %dma_start3A_368 = arith.constant 0 : i32
    %dma_start3A_369 = arith.constant 0 : i32
    %dma_start3A_370 = tpu.memref_slice %arg4[%dma_start3A_368, %dma_start3A_369] : memref<24x1024xf32, #tpu.memory_space<vmem>> -> memref<16x1024xf32, #tpu.memory_space<vmem>>
    %dma_start3A_371 = arith.constant 0 : i32
    %dma_start3A_372 = tpu.memref_slice %arg2[%add3A_362, %dma_start3A_371] : memref<8192x1024xf32, #tpu.memory_space<hbm>> -> memref<16x1024xf32, #tpu.memory_space<hbm>>
    tpu.enqueue_dma source(%dma_start3A_372 : memref<16x1024xf32, #tpu.memory_space<hbm>>) target(%dma_start3A_370 : memref<16x1024xf32, #tpu.memory_space<vmem>>) target_semaphore(%arg9 : memref<!tpu.dma_semaphore, #tpu.memory_space<semaphore_mem>>)
    %add3A_373 = arith.constant 168 : i32
    %add3A_374 = arith.addi %mul3A_2, %add3A_373 : i32
    %dma_wait3A_375 = arith.constant 0 : i32
    %dma_wait3A_376 = arith.constant 0 : i32
    %dma_wait3A_377 = tpu.memref_slice %arg6[%dma_wait3A_375, %dma_wait3A_376] : memref<24x1024xf32, #tpu.memory_space<vmem>> -> memref<24x1024xf32, #tpu.memory_space<vmem>>
    %dma_wait3A_378 = arith.constant 0 : i32
    %dma_wait3A_379 = tpu.memref_slice %arg2[%add3A_374, %dma_wait3A_378] : memref<8192x1024xf32, #tpu.memory_space<hbm>> -> memref<24x1024xf32, #tpu.memory_space<hbm>>
    %dma_wait3A_380 = arith.constant 0 : i32
    %dma_wait3A_381 = arith.constant 0 : i32
    %dma_wait3A_382 = tpu.memref_slice %arg6[%dma_wait3A_380, %dma_wait3A_381] : memref<24x1024xf32, #tpu.memory_space<vmem>> -> memref<24x1024xf32, #tpu.memory_space<vmem>>
    %dma_wait3A_383 = arith.constant 0 : i32
    %dma_wait3A_384 = tpu.memref_slice %arg2[%add3A_374, %dma_wait3A_383] : memref<8192x1024xf32, #tpu.memory_space<hbm>> -> memref<24x1024xf32, #tpu.memory_space<hbm>>
    tpu.wait_dma2 semaphore(%arg11 : memref<!tpu.dma_semaphore, #tpu.memory_space<semaphore_mem>>) src(%dma_wait3A_384 : memref<24x1024xf32, #tpu.memory_space<hbm>>) dst(%dma_wait3A_382 : memref<24x1024xf32, #tpu.memory_space<vmem>>)
    %add3A_385 = arith.constant 168 : i32
    %add3A_386 = arith.addi %mul3A_2, %add3A_385 : i32
    %dma_start3A_387 = arith.constant 0 : i32
    %dma_start3A_388 = arith.constant 0 : i32
    %dma_start3A_389 = tpu.memref_slice %arg6[%dma_start3A_387, %dma_start3A_388] : memref<24x1024xf32, #tpu.memory_space<vmem>> -> memref<24x1024xf32, #tpu.memory_space<vmem>>
    %dma_start3A_390 = arith.constant 0 : i32
    %dma_start3A_391 = tpu.memref_slice %arg3[%add3A_386, %dma_start3A_390] : memref<8192x1024xf32, #tpu.memory_space<hbm>> -> memref<24x1024xf32, #tpu.memory_space<hbm>>
    %dma_start3A_392 = arith.constant 0 : i32
    %dma_start3A_393 = tpu.memref_slice %arg3[%add3A_386, %dma_start3A_392] : memref<8192x1024xf32, #tpu.memory_space<hbm>> -> memref<24x1024xf32, #tpu.memory_space<hbm>>
    %dma_start3A_394 = arith.constant 0 : i32
    %dma_start3A_395 = arith.constant 0 : i32
    %dma_start3A_396 = tpu.memref_slice %arg6[%dma_start3A_394, %dma_start3A_395] : memref<24x1024xf32, #tpu.memory_space<vmem>> -> memref<24x1024xf32, #tpu.memory_space<vmem>>
    tpu.enqueue_dma source(%dma_start3A_396 : memref<24x1024xf32, #tpu.memory_space<vmem>>) target(%dma_start3A_393 : memref<24x1024xf32, #tpu.memory_space<hbm>>) target_semaphore(%arg16 : memref<!tpu.dma_semaphore, #tpu.memory_space<semaphore_mem>>)
    %add3A_397 = arith.constant 192 : i32
    %add3A_398 = arith.addi %mul3A_2, %add3A_397 : i32
    %dma_wait3A_399 = arith.constant 0 : i32
    %dma_wait3A_400 = arith.constant 0 : i32
    %dma_wait3A_401 = tpu.memref_slice %arg7[%dma_wait3A_399, %dma_wait3A_400] : memref<24x1024xf32, #tpu.memory_space<vmem>> -> memref<24x1024xf32, #tpu.memory_space<vmem>>
    %dma_wait3A_402 = arith.constant 0 : i32
    %dma_wait3A_403 = tpu.memref_slice %arg2[%add3A_398, %dma_wait3A_402] : memref<8192x1024xf32, #tpu.memory_space<hbm>> -> memref<24x1024xf32, #tpu.memory_space<hbm>>
    %dma_wait3A_404 = arith.constant 0 : i32
    %dma_wait3A_405 = arith.constant 0 : i32
    %dma_wait3A_406 = tpu.memref_slice %arg7[%dma_wait3A_404, %dma_wait3A_405] : memref<24x1024xf32, #tpu.memory_space<vmem>> -> memref<24x1024xf32, #tpu.memory_space<vmem>>
    %dma_wait3A_407 = arith.constant 0 : i32
    %dma_wait3A_408 = tpu.memref_slice %arg2[%add3A_398, %dma_wait3A_407] : memref<8192x1024xf32, #tpu.memory_space<hbm>> -> memref<24x1024xf32, #tpu.memory_space<hbm>>
    tpu.wait_dma2 semaphore(%arg12 : memref<!tpu.dma_semaphore, #tpu.memory_space<semaphore_mem>>) src(%dma_wait3A_408 : memref<24x1024xf32, #tpu.memory_space<hbm>>) dst(%dma_wait3A_406 : memref<24x1024xf32, #tpu.memory_space<vmem>>)
    %add3A_409 = arith.constant 192 : i32
    %add3A_410 = arith.addi %mul3A_2, %add3A_409 : i32
    %dma_start3A_411 = arith.constant 0 : i32
    %dma_start3A_412 = arith.constant 0 : i32
    %dma_start3A_413 = tpu.memref_slice %arg7[%dma_start3A_411, %dma_start3A_412] : memref<24x1024xf32, #tpu.memory_space<vmem>> -> memref<24x1024xf32, #tpu.memory_space<vmem>>
    %dma_start3A_414 = arith.constant 0 : i32
    %dma_start3A_415 = tpu.memref_slice %arg3[%add3A_410, %dma_start3A_414] : memref<8192x1024xf32, #tpu.memory_space<hbm>> -> memref<24x1024xf32, #tpu.memory_space<hbm>>
    %dma_start3A_416 = arith.constant 0 : i32
    %dma_start3A_417 = tpu.memref_slice %arg3[%add3A_410, %dma_start3A_416] : memref<8192x1024xf32, #tpu.memory_space<hbm>> -> memref<24x1024xf32, #tpu.memory_space<hbm>>
    %dma_start3A_418 = arith.constant 0 : i32
    %dma_start3A_419 = arith.constant 0 : i32
    %dma_start3A_420 = tpu.memref_slice %arg7[%dma_start3A_418, %dma_start3A_419] : memref<24x1024xf32, #tpu.memory_space<vmem>> -> memref<24x1024xf32, #tpu.memory_space<vmem>>
    tpu.enqueue_dma source(%dma_start3A_420 : memref<24x1024xf32, #tpu.memory_space<vmem>>) target(%dma_start3A_417 : memref<24x1024xf32, #tpu.memory_space<hbm>>) target_semaphore(%arg17 : memref<!tpu.dma_semaphore, #tpu.memory_space<semaphore_mem>>)
    %add3A_421 = arith.constant 216 : i32
    %add3A_422 = arith.addi %mul3A_2, %add3A_421 : i32
    %dma_wait3A_423 = arith.constant 0 : i32
    %dma_wait3A_424 = arith.constant 0 : i32
    %dma_wait3A_425 = tpu.memref_slice %arg8[%dma_wait3A_423, %dma_wait3A_424] : memref<24x1024xf32, #tpu.memory_space<vmem>> -> memref<24x1024xf32, #tpu.memory_space<vmem>>
    %dma_wait3A_426 = arith.constant 0 : i32
    %dma_wait3A_427 = tpu.memref_slice %arg2[%add3A_422, %dma_wait3A_426] : memref<8192x1024xf32, #tpu.memory_space<hbm>> -> memref<24x1024xf32, #tpu.memory_space<hbm>>
    %dma_wait3A_428 = arith.constant 0 : i32
    %dma_wait3A_429 = arith.constant 0 : i32
    %dma_wait3A_430 = tpu.memref_slice %arg8[%dma_wait3A_428, %dma_wait3A_429] : memref<24x1024xf32, #tpu.memory_space<vmem>> -> memref<24x1024xf32, #tpu.memory_space<vmem>>
    %dma_wait3A_431 = arith.constant 0 : i32
    %dma_wait3A_432 = tpu.memref_slice %arg2[%add3A_422, %dma_wait3A_431] : memref<8192x1024xf32, #tpu.memory_space<hbm>> -> memref<24x1024xf32, #tpu.memory_space<hbm>>
    tpu.wait_dma2 semaphore(%arg13 : memref<!tpu.dma_semaphore, #tpu.memory_space<semaphore_mem>>) src(%dma_wait3A_432 : memref<24x1024xf32, #tpu.memory_space<hbm>>) dst(%dma_wait3A_430 : memref<24x1024xf32, #tpu.memory_space<vmem>>)
    %add3A_433 = arith.constant 216 : i32
    %add3A_434 = arith.addi %mul3A_2, %add3A_433 : i32
    %dma_start3A_435 = arith.constant 0 : i32
    %dma_start3A_436 = arith.constant 0 : i32
    %dma_start3A_437 = tpu.memref_slice %arg8[%dma_start3A_435, %dma_start3A_436] : memref<24x1024xf32, #tpu.memory_space<vmem>> -> memref<24x1024xf32, #tpu.memory_space<vmem>>
    %dma_start3A_438 = arith.constant 0 : i32
    %dma_start3A_439 = tpu.memref_slice %arg3[%add3A_434, %dma_start3A_438] : memref<8192x1024xf32, #tpu.memory_space<hbm>> -> memref<24x1024xf32, #tpu.memory_space<hbm>>
    %dma_start3A_440 = arith.constant 0 : i32
    %dma_start3A_441 = tpu.memref_slice %arg3[%add3A_434, %dma_start3A_440] : memref<8192x1024xf32, #tpu.memory_space<hbm>> -> memref<24x1024xf32, #tpu.memory_space<hbm>>
    %dma_start3A_442 = arith.constant 0 : i32
    %dma_start3A_443 = arith.constant 0 : i32
    %dma_start3A_444 = tpu.memref_slice %arg8[%dma_start3A_442, %dma_start3A_443] : memref<24x1024xf32, #tpu.memory_space<vmem>> -> memref<24x1024xf32, #tpu.memory_space<vmem>>
    tpu.enqueue_dma source(%dma_start3A_444 : memref<24x1024xf32, #tpu.memory_space<vmem>>) target(%dma_start3A_441 : memref<24x1024xf32, #tpu.memory_space<hbm>>) target_semaphore(%arg18 : memref<!tpu.dma_semaphore, #tpu.memory_space<semaphore_mem>>)
    %add3A_445 = arith.constant 240 : i32
    %add3A_446 = arith.addi %mul3A_2, %add3A_445 : i32
    %dma_wait3A_447 = arith.constant 0 : i32
    %dma_wait3A_448 = arith.constant 0 : i32
    %dma_wait3A_449 = tpu.memref_slice %arg4[%dma_wait3A_447, %dma_wait3A_448] : memref<24x1024xf32, #tpu.memory_space<vmem>> -> memref<16x1024xf32, #tpu.memory_space<vmem>>
    %dma_wait3A_450 = arith.constant 0 : i32
    %dma_wait3A_451 = tpu.memref_slice %arg2[%add3A_446, %dma_wait3A_450] : memref<8192x1024xf32, #tpu.memory_space<hbm>> -> memref<16x1024xf32, #tpu.memory_space<hbm>>
    %dma_wait3A_452 = arith.constant 0 : i32
    %dma_wait3A_453 = arith.constant 0 : i32
    %dma_wait3A_454 = tpu.memref_slice %arg4[%dma_wait3A_452, %dma_wait3A_453] : memref<24x1024xf32, #tpu.memory_space<vmem>> -> memref<16x1024xf32, #tpu.memory_space<vmem>>
    %dma_wait3A_455 = arith.constant 0 : i32
    %dma_wait3A_456 = tpu.memref_slice %arg2[%add3A_446, %dma_wait3A_455] : memref<8192x1024xf32, #tpu.memory_space<hbm>> -> memref<16x1024xf32, #tpu.memory_space<hbm>>
    tpu.wait_dma2 semaphore(%arg9 : memref<!tpu.dma_semaphore, #tpu.memory_space<semaphore_mem>>) src(%dma_wait3A_456 : memref<16x1024xf32, #tpu.memory_space<hbm>>) dst(%dma_wait3A_454 : memref<16x1024xf32, #tpu.memory_space<vmem>>)
    %add3A_457 = arith.constant 240 : i32
    %add3A_458 = arith.addi %mul3A_2, %add3A_457 : i32
    %dma_start3A_459 = arith.constant 0 : i32
    %dma_start3A_460 = arith.constant 0 : i32
    %dma_start3A_461 = tpu.memref_slice %arg4[%dma_start3A_459, %dma_start3A_460] : memref<24x1024xf32, #tpu.memory_space<vmem>> -> memref<16x1024xf32, #tpu.memory_space<vmem>>
    %dma_start3A_462 = arith.constant 0 : i32
    %dma_start3A_463 = tpu.memref_slice %arg3[%add3A_458, %dma_start3A_462] : memref<8192x1024xf32, #tpu.memory_space<hbm>> -> memref<16x1024xf32, #tpu.memory_space<hbm>>
    %dma_start3A_464 = arith.constant 0 : i32
    %dma_start3A_465 = tpu.memref_slice %arg3[%add3A_458, %dma_start3A_464] : memref<8192x1024xf32, #tpu.memory_space<hbm>> -> memref<16x1024xf32, #tpu.memory_space<hbm>>
    %dma_start3A_466 = arith.constant 0 : i32
    %dma_start3A_467 = arith.constant 0 : i32
    %dma_start3A_468 = tpu.memref_slice %arg4[%dma_start3A_466, %dma_start3A_467] : memref<24x1024xf32, #tpu.memory_space<vmem>> -> memref<16x1024xf32, #tpu.memory_space<vmem>>
    tpu.enqueue_dma source(%dma_start3A_468 : memref<16x1024xf32, #tpu.memory_space<vmem>>) target(%dma_start3A_465 : memref<16x1024xf32, #tpu.memory_space<hbm>>) target_semaphore(%arg14 : memref<!tpu.dma_semaphore, #tpu.memory_space<semaphore_mem>>)
    %add3A_469 = arith.constant 144 : i32
    %add3A_470 = arith.addi %mul3A_2, %add3A_469 : i32
    %dma_wait3A_471 = arith.constant 0 : i32
    %dma_wait3A_472 = arith.constant 0 : i32
    %dma_wait3A_473 = tpu.memref_slice %arg5[%dma_wait3A_471, %dma_wait3A_472] : memref<24x1024xf32, #tpu.memory_space<vmem>> -> memref<24x1024xf32, #tpu.memory_space<vmem>>
    %dma_wait3A_474 = arith.constant 0 : i32
    %dma_wait3A_475 = tpu.memref_slice %arg3[%add3A_470, %dma_wait3A_474] : memref<8192x1024xf32, #tpu.memory_space<hbm>> -> memref<24x1024xf32, #tpu.memory_space<hbm>>
    %dma_wait3A_476 = arith.constant 0 : i32
    %dma_wait3A_477 = tpu.memref_slice %arg3[%add3A_470, %dma_wait3A_476] : memref<8192x1024xf32, #tpu.memory_space<hbm>> -> memref<24x1024xf32, #tpu.memory_space<hbm>>
    %dma_wait3A_478 = arith.constant 0 : i32
    %dma_wait3A_479 = arith.constant 0 : i32
    %dma_wait3A_480 = tpu.memref_slice %arg5[%dma_wait3A_478, %dma_wait3A_479] : memref<24x1024xf32, #tpu.memory_space<vmem>> -> memref<24x1024xf32, #tpu.memory_space<vmem>>
    tpu.wait_dma2 semaphore(%arg15 : memref<!tpu.dma_semaphore, #tpu.memory_space<semaphore_mem>>) src(%dma_wait3A_480 : memref<24x1024xf32, #tpu.memory_space<vmem>>) dst(%dma_wait3A_477 : memref<24x1024xf32, #tpu.memory_space<hbm>>)
    %add3A_481 = arith.constant 168 : i32
    %add3A_482 = arith.addi %mul3A_2, %add3A_481 : i32
    %dma_wait3A_483 = arith.constant 0 : i32
    %dma_wait3A_484 = arith.constant 0 : i32
    %dma_wait3A_485 = tpu.memref_slice %arg6[%dma_wait3A_483, %dma_wait3A_484] : memref<24x1024xf32, #tpu.memory_space<vmem>> -> memref<24x1024xf32, #tpu.memory_space<vmem>>
    %dma_wait3A_486 = arith.constant 0 : i32
    %dma_wait3A_487 = tpu.memref_slice %arg3[%add3A_482, %dma_wait3A_486] : memref<8192x1024xf32, #tpu.memory_space<hbm>> -> memref<24x1024xf32, #tpu.memory_space<hbm>>
    %dma_wait3A_488 = arith.constant 0 : i32
    %dma_wait3A_489 = tpu.memref_slice %arg3[%add3A_482, %dma_wait3A_488] : memref<8192x1024xf32, #tpu.memory_space<hbm>> -> memref<24x1024xf32, #tpu.memory_space<hbm>>
    %dma_wait3A_490 = arith.constant 0 : i32
    %dma_wait3A_491 = arith.constant 0 : i32
    %dma_wait3A_492 = tpu.memref_slice %arg6[%dma_wait3A_490, %dma_wait3A_491] : memref<24x1024xf32, #tpu.memory_space<vmem>> -> memref<24x1024xf32, #tpu.memory_space<vmem>>
    tpu.wait_dma2 semaphore(%arg16 : memref<!tpu.dma_semaphore, #tpu.memory_space<semaphore_mem>>) src(%dma_wait3A_492 : memref<24x1024xf32, #tpu.memory_space<vmem>>) dst(%dma_wait3A_489 : memref<24x1024xf32, #tpu.memory_space<hbm>>)
    %add3A_493 = arith.constant 192 : i32
    %add3A_494 = arith.addi %mul3A_2, %add3A_493 : i32
    %dma_wait3A_495 = arith.constant 0 : i32
    %dma_wait3A_496 = arith.constant 0 : i32
    %dma_wait3A_497 = tpu.memref_slice %arg7[%dma_wait3A_495, %dma_wait3A_496] : memref<24x1024xf32, #tpu.memory_space<vmem>> -> memref<24x1024xf32, #tpu.memory_space<vmem>>
    %dma_wait3A_498 = arith.constant 0 : i32
    %dma_wait3A_499 = tpu.memref_slice %arg3[%add3A_494, %dma_wait3A_498] : memref<8192x1024xf32, #tpu.memory_space<hbm>> -> memref<24x1024xf32, #tpu.memory_space<hbm>>
    %dma_wait3A_500 = arith.constant 0 : i32
    %dma_wait3A_501 = tpu.memref_slice %arg3[%add3A_494, %dma_wait3A_500] : memref<8192x1024xf32, #tpu.memory_space<hbm>> -> memref<24x1024xf32, #tpu.memory_space<hbm>>
    %dma_wait3A_502 = arith.constant 0 : i32
    %dma_wait3A_503 = arith.constant 0 : i32
    %dma_wait3A_504 = tpu.memref_slice %arg7[%dma_wait3A_502, %dma_wait3A_503] : memref<24x1024xf32, #tpu.memory_space<vmem>> -> memref<24x1024xf32, #tpu.memory_space<vmem>>
    tpu.wait_dma2 semaphore(%arg17 : memref<!tpu.dma_semaphore, #tpu.memory_space<semaphore_mem>>) src(%dma_wait3A_504 : memref<24x1024xf32, #tpu.memory_space<vmem>>) dst(%dma_wait3A_501 : memref<24x1024xf32, #tpu.memory_space<hbm>>)
    %add3A_505 = arith.constant 216 : i32
    %add3A_506 = arith.addi %mul3A_2, %add3A_505 : i32
    %dma_wait3A_507 = arith.constant 0 : i32
    %dma_wait3A_508 = arith.constant 0 : i32
    %dma_wait3A_509 = tpu.memref_slice %arg8[%dma_wait3A_507, %dma_wait3A_508] : memref<24x1024xf32, #tpu.memory_space<vmem>> -> memref<24x1024xf32, #tpu.memory_space<vmem>>
    %dma_wait3A_510 = arith.constant 0 : i32
    %dma_wait3A_511 = tpu.memref_slice %arg3[%add3A_506, %dma_wait3A_510] : memref<8192x1024xf32, #tpu.memory_space<hbm>> -> memref<24x1024xf32, #tpu.memory_space<hbm>>
    %dma_wait3A_512 = arith.constant 0 : i32
    %dma_wait3A_513 = tpu.memref_slice %arg3[%add3A_506, %dma_wait3A_512] : memref<8192x1024xf32, #tpu.memory_space<hbm>> -> memref<24x1024xf32, #tpu.memory_space<hbm>>
    %dma_wait3A_514 = arith.constant 0 : i32
    %dma_wait3A_515 = arith.constant 0 : i32
    %dma_wait3A_516 = tpu.memref_slice %arg8[%dma_wait3A_514, %dma_wait3A_515] : memref<24x1024xf32, #tpu.memory_space<vmem>> -> memref<24x1024xf32, #tpu.memory_space<vmem>>
    tpu.wait_dma2 semaphore(%arg18 : memref<!tpu.dma_semaphore, #tpu.memory_space<semaphore_mem>>) src(%dma_wait3A_516 : memref<24x1024xf32, #tpu.memory_space<vmem>>) dst(%dma_wait3A_513 : memref<24x1024xf32, #tpu.memory_space<hbm>>)
    %add3A_517 = arith.constant 240 : i32
    %add3A_518 = arith.addi %mul3A_2, %add3A_517 : i32
    %dma_wait3A_519 = arith.constant 0 : i32
    %dma_wait3A_520 = arith.constant 0 : i32
    %dma_wait3A_521 = tpu.memref_slice %arg4[%dma_wait3A_519, %dma_wait3A_520] : memref<24x1024xf32, #tpu.memory_space<vmem>> -> memref<16x1024xf32, #tpu.memory_space<vmem>>
    %dma_wait3A_522 = arith.constant 0 : i32
    %dma_wait3A_523 = tpu.memref_slice %arg3[%add3A_518, %dma_wait3A_522] : memref<8192x1024xf32, #tpu.memory_space<hbm>> -> memref<16x1024xf32, #tpu.memory_space<hbm>>
    %dma_wait3A_524 = arith.constant 0 : i32
    %dma_wait3A_525 = tpu.memref_slice %arg3[%add3A_518, %dma_wait3A_524] : memref<8192x1024xf32, #tpu.memory_space<hbm>> -> memref<16x1024xf32, #tpu.memory_space<hbm>>
    %dma_wait3A_526 = arith.constant 0 : i32
    %dma_wait3A_527 = arith.constant 0 : i32
    %dma_wait3A_528 = tpu.memref_slice %arg4[%dma_wait3A_526, %dma_wait3A_527] : memref<24x1024xf32, #tpu.memory_space<vmem>> -> memref<16x1024xf32, #tpu.memory_space<vmem>>
    tpu.wait_dma2 semaphore(%arg14 : memref<!tpu.dma_semaphore, #tpu.memory_space<semaphore_mem>>) src(%dma_wait3A_528 : memref<16x1024xf32, #tpu.memory_space<vmem>>) dst(%dma_wait3A_525 : memref<16x1024xf32, #tpu.memory_space<hbm>>)
    return
  }
}

</mosaic_0001>

<sc_bundles>
// kernel: kernel.3.cloned.1.call-start
scs
__scs_entry_jumppad:
0x0: {  	(pc) =	sbr.rel $0x88, $3  }
0x1: {  	(tag) =	ssettag $0x0;
	lr =	simm.s32 $0x1  }
0x2: {  	[smem:$0x3FA0] =	sst lr;
	_ =	strace $0xD0000000  }
0x3: {  	_ = 	snop  }
0x4: {  	_ = 	snop  }
0x5: {  	_ = 	snop  }
0x6: {  	_ = 	snop  }
0x7: {  	_ = 	snop  }
__scs_overlays_trampoline_lowered:
0x8: {  	[smem:$0x3FAF] =	sst s0  }
0x9: {  	[smem:$0x3FB0] =	sst s1  }
0xa: {  	[smem:$0x3FB1] =	sst s2  }
0xb: {  	[smem:$0x3FB2] =	sst s3  }
0xc: {  	[smem:$0x3FB3] =	sst s4  }
0xd: {  	[smem:$0x3FB4] =	sst s5  }
0xe: {  	[smem:$0x3FB5] =	sst s6  }
0xf: {  	[smem:$0x3FB6] =	sst s7  }
0x10: {  	[smem:$0x3FB7] =	sst s8  }
0x11: {  	[smem:$0x3FB8] =	sst s9;
	s0 =	simm.s32 @!p0 $0x0  }
0x12: {  	s1 =	sld [smem:$0x3F9E];
	s0 =	simm.s32 @p0 $0x1  }
0x13: {  	[smem:$0x3FB9] =	sst s0;
	s0 =	simm.s32 @!p1 $0x0  }
0x14: {  	s2 =	sld [smem:$0x3F9D];
	s0 =	simm.s32 @p1 $0x1  }
0x15: {  	[smem:$0x3FBA] =	sst s0;
	s0 =	simm.s32 @!p2 $0x0  }
0x16: {  	s3 =	sld [smem:$0x3FDB];
	s0 =	simm.s32 @p2 $0x1  }
0x17: {  	s4 =	simm.s32 $0x1BF5;
	[smem:$0x3FBC] =	sst s0  }
0x18: {  	s0 =	sld [smem:$0x3F9F];
	_ =	swait.ge [sflag:s4], $0x0  }
0x19: {  	s7 =	sld [smem:$0x3FA0]  }
0x1a: {  	s8 =	sadd.s32 $0xFFFFE003, lr  }
0x1b: {  	s9 =	sadd.s32 $0xFFFFFEF7, lr;
	s5 =	simm.s32 $0xFFFFFFFF;
	p2 =	slt.u32 s8, $0xFFFFF086  }
0x1c: {  	p1 =	slt.u32 s9, $0xF7A;
	s5 =	simm.s32 @!p2 $0x0  }
0x1d: {  	s5 =	simm.s32 @p1 $0x1;
	p0 =	seq.s32 s7, s2  }
0x1e: {  	s7 =	smul.u32 @!p0 $0xF7A, s2;
	p2 =	seq.s32 @!p0 s5, $0x0  }
0x1f: {  	s9 =	smul.u32 $0xF7A, s1;
	s8 =	simm.s32 @!p0 $0x1BF5;
	p2 =	por !p2, p0  }
0x20: {  	[sflag:s8] =	ssyncset.s32 @!p0 $0xFFFFF086;
	s6 =	sadd.s32 @!p0 s3, s7;
	s7 =	simm.s32 @!p0 $0x108  }
0x21: {  	s3 =	sadd.s32 s3, s9;
	s6 =	sadd.s32 @!p0 $0x88, s6;
	s7 =	simm.s32 @p2 $0x1082  }
0x22: {  	[simem:s7], [sflag:s8] =	dma.local @!p0 [hbm:s6], $0xF7A  }
0x23: {  	s9 =	sor.u32 $0xD0000000, s2;
	s6 =	simm.s32 $0x108;
	_ =	swait.ge @!p0 [sflag:s8], $0x0  }
0x24: {  	s3 =	sadd.s32 $0x88, s3;
	s6 =	simm.s32 @!p1 $0x1082;
	[sflag:s4] =	ssyncset.s32 $0xFFFFF086  }
0x25: {  	[simem:s6], [sflag:s4] =	dma.local [hbm:s3], $0xF7A  }
0x26: {  	[smem:$0x3FA0] =	sst s1;
	(tag) =	ssettag s2;
	_ =	strace s9  }
0x27: {  	s1 =	sld [smem:$0x3FB0]  }
0x28: {  	s2 =	sld [smem:$0x3FB1]  }
0x29: {  	s4 =	sld [smem:$0x3FB3]  }
0x2a: {  	p0 =	seq.s32 s5, $0x0;
	s5 =	sld [smem:$0x3FB4]  }
0x2b: {  	s6 =	sld [smem:$0x3FB5]  }
0x2c: {  	s7 =	sld [smem:$0x3FB6]  }
0x2d: {  	s3 =	simm.s32 $0x108;
	s8 =	sld [smem:$0x3FB7]  }
0x2e: {  	s3 =	simm.s32 @!p0 $0x1082;
	s9 =	sld [smem:$0x3FB8]  }
0x2f: {  	lr =	sadd.s32 s0, s3;
	s0 =	sld [smem:$0x3FAF]  }
0x30: {  	s3 =	sld [smem:$0x3FB2]  }
0x31: {  	[smem:$0x3FBB] =	sst s10  }
0x32: {  	s10 =	sld [smem:$0x3FB9];
	_ =	sdelay $0x3  }
0x33: {  	p0 =	seq.s32 s10, $0x1;
	s10 =	sld [smem:$0x3FBB];
	_ =	sdelay $0x3  }
0x34: {  	[smem:$0x3FBB] =	sst s10  }
0x35: {  	s10 =	sld [smem:$0x3FBA];
	_ =	sdelay $0x3  }
0x36: {  	p1 =	seq.s32 s10, $0x1;
	s10 =	sld [smem:$0x3FBB];
	_ =	sdelay $0x3  }
0x37: {  	[smem:$0x3FBB] =	sst s10  }
0x38: {  	s10 =	sld [smem:$0x3FBC]  }
0x39: {  	_ = 	snop;
	(pc) =	sbr.ind lr, $3  }
0x3a: {  	_ = 	snop  }
0x3b: {  	_ = 	snop  }
0x3c: {  	p2 =	seq.s32 s10, $0x1;
	s10 =	sld [smem:$0x3FBB]  }
0x3d: {  	_ =	shalt  }
0x3e: {  	_ =	shalt  }
0x3f: {  	_ =	shalt  }
0x40: {  	_ =	shalt  }
0x41: {  	_ =	shalt  }
0x42: {  	_ =	shalt  }
0x43: {  	_ =	shalt  }
0x44: {  	_ =	shalt  }
0x45: {  	_ =	shalt  }
0x46: {  	_ =	shalt  }
0x47: {  	_ =	shalt  }
0x48: {  	_ =	shalt  }
0x49: {  	_ =	shalt  }
0x4a: {  	_ =	shalt  }
0x4b: {  	_ =	shalt  }
0x4c: {  	_ =	shalt  }
0x4d: {  	_ =	shalt  }
0x4e: {  	_ =	shalt  }
0x4f: {  	_ =	shalt  }
0x50: {  	_ =	shalt  }
0x51: {  	_ =	shalt  }
0x52: {  	_ =	shalt  }
0x53: {  	_ =	shalt  }
0x54: {  	_ =	shalt  }
0x55: {  	_ =	shalt  }
0x56: {  	_ =	shalt  }
0x57: {  	_ =	shalt  }
0x58: {  	_ =	shalt  }
0x59: {  	_ =	shalt  }
0x5a: {  	_ =	shalt  }
0x5b: {  	_ =	shalt  }
0x5c: {  	_ =	shalt  }
0x5d: {  	_ =	shalt  }
0x5e: {  	_ =	shalt  }
0x5f: {  	_ =	shalt  }
0x60: {  	_ =	shalt  }
0x61: {  	_ =	shalt  }
0x62: {  	_ =	shalt  }
0x63: {  	_ =	shalt  }
0x64: {  	_ =	shalt  }
0x65: {  	_ =	shalt  }
0x66: {  	_ =	shalt  }
0x67: {  	_ =	shalt  }
0x68: {  	_ =	shalt  }
0x69: {  	_ =	shalt  }
0x6a: {  	_ =	shalt  }
0x6b: {  	_ =	shalt  }
0x6c: {  	_ =	shalt  }
0x6d: {  	_ =	shalt  }
0x6e: {  	_ =	shalt  }
0x6f: {  	_ =	shalt  }
0x70: {  	_ =	shalt  }
0x71: {  	_ =	shalt  }
0x72: {  	_ =	shalt  }
0x73: {  	_ =	shalt  }
0x74: {  	_ =	shalt  }
0x75: {  	_ =	shalt  }
0x76: {  	_ =	shalt  }
0x77: {  	_ =	shalt  }
0x78: {  	_ =	shalt  }
0x79: {  	_ =	shalt  }
0x7a: {  	_ =	shalt  }
0x7b: {  	_ =	shalt  }
0x7c: {  	_ =	shalt  }
0x7d: {  	_ =	shalt  }
0x7e: {  	_ =	shalt  }
0x7f: {  	_ =	shalt  }
0x80: {  	_ =	shalt  }
0x81: {  	_ =	shalt  }
0x82: {  	_ =	shalt  }
0x83: {  	_ =	shalt  }
0x84: {  	_ =	shalt  }
0x85: {  	_ =	shalt  }
0x86: {  	_ =	shalt  }
0x87: {  	_ =	shalt  }
.Lfunc_end0:
.L_simem_size_0:
called_computation_lowered:
.L_overlay_start_0:
0x88: {  	s2 =	sld [smem:$0x3FD9]  }
0x89: {  	s3 =	sld [smem:$0x3FFE];
	_ =	sdelay $0x1  }
0x8a: {  	s1 =	srdreg.scid  }
0x8b: {  	s0 =	sand.u32 $0x1, s1  }
0x8c: {  	s18 =	sshll.u32 s0, $0xA;
	s2 =	sadd.s32 s3, s2  }
0x8d: {  	s2 =	sadd.s32 s2, s18  }
0x8e: {  	[smem:$0x3FC7] =	sst s2  }
0x8f: {  	_ = 	snop  }
0x90: {  	s2 =	sld [smem:$0x3FC9]  }
0x91: {  	s19 =	sld [smem:$0x3FD0];
	(tm) =	ssettm $0x1  }
0x92: {  	s4 =	sld [smem:$0x3FFB];
	_ =	sdelay $0x3  }
0x93: {  	_ =	strace s4  }
0x94: {  	s4 =	sld [smem:$0x3FFC];
	_ =	sdelay $0x3  }
0x95: {  	_ =	strace s4  }
0x96: {  	s4 =	sld [smem:$0x3FFD];
	_ =	sdelay $0x3  }
0x97: {  	_ =	strace s4  }
0x98: {  	_ =	strace $0x8FFFFFFF  }
0x99: {  	s20 =	sld [smem:$0x3FDB];
	_ =	sdelay $0x1  }
0x9a: {  	s5 =	simm.s32 $_scs_section_size  }
0x9b: {  	s6 =	simm.s32 $_size__tile_overlayer_lowered;
	s7 =	simm.s32 $_tile_overlayer_lowered  }
0x9c: {  	s23 =	simm.s32 $0x1BFF;
	s22 =	sshll.u32 s7, $0x1;
	s4 =	sadd.s32 s5, s20  }
0x9d: {  	s8 =	simm.s32 $0x0;
	s21 =	sshll.u32 s6, $0x1;
	s6 =	sadd.s32 s22, s4  }
0x9e: {  	[timem:s8], [sflag:s23] =	dma.local [hbm:s6], s21  }
0x9f: {  	_ =	swait.ge [sflag:s23], s21  }
0xa0: {  	s5 =	ssub.s32 $0x0, s21;
	[sflag:s23] =	ssyncset.done $0x0  }
0xa1: {  	[sflag:s23] =	ssyncadd.s32 s5;
	_ =	sdelay $0x1  }
0xa2: {  	s24 =	simm.s32 $0x1B8B  }
0xa3: {  	_ =	swait.ge [sflag:s24], $0x1  }
0xa4: {  	[sflag:s24] =	ssyncset.done $0x0  }
0xa5: {  	s25 =	simm.s32 $0x1B8E;
	[sflag:s24] =	ssyncadd.s32 $0xFFFFFFFF  }
0xa6: {  	s26 =	simm.s32 $execute0_lowered;
	[smem:$0x3FD2] =	sst s25  }
0xa7: {  	s5 =	sshll.u32 s26, $0x1;
	_ =	strace $0x80000046;
	[dreg:$0x1] =	wrdreg $0xFFFFFFFF  }
0xa8: {  	s28 =	simm.s32 $_size_execute0_lowered;
	s4 =	sadd.s32 s4, s5;
	[dreg:$0x0] =	wrdreg $0x0  }
0xa9: {  	s5 =	sshll.u32 s28, $0x1;
	[dreg:$0x2] =	wrdreg s4  }
0xaa: {  	[dreg:$0x3] =	wrdreg s5  }
0xab: {  	[dreg:$0x4] =	wrdreg $0xC0  }
0xac: {  	_ =	task [dreg:s8], $0x5FFFF  }
0xad: {  	[dreg:$0x1] =	wrdreg $0xFFFFFFFF  }
0xae: {  	[dreg:$0x0] =	wrdreg $0x60  }
0xaf: {  	[dreg:$0x2] =	wrdreg s2  }
0xb0: {  	[dreg:$0x3] =	wrdreg s19  }
0xb1: {  	[dreg:$0x4] =	wrdreg $0x9  }
0xb2: {  	_ =	task.clear_ibuf [dreg:s8], $0x5FFFF;
	_ =	strace $0x90000046  }
0xb3: {  	s29 =	simm.s32 $0x9;
	_ =	strace $0x80000048  }
0xb4: {  	_ =	swait.ge [sflag:s29], $0x1  }
0xb5: {  	[sflag:s29] =	ssyncadd.s32 $0xFFFFFFFF  }
0xb6: {  	_ =	strace $0x90000048  }
0xb7: {  	_ =	sfence  }
0xb8: {  	s30 =	sld [smem:$0x0];
	_ =	sdelay $0x2  }
0xb9: {  	s31 =	sshll.u32 s1, $0xD;
	s1 =	sshrl.u32 s1, $0x2  }
0xba: {  	s3 =	sand.u32 $0x4000, s31;
	s1 =	sadd.s32 s1, s30  }
0xbb: {  	s0 =	sor.u32 s3, s0;
	s1 =	sshll.u32 s1, $0x11  }
0xbc: {  	s0 =	sor.u32 s1, s0  }
0xbd: {  	s0 =	sadd.s32 $0x8F2B, s0  }
0xbe: {  	[sflag:s0] =	ssyncadd.remote.s32 $0x1  }
0xbf: {  	_ =	sfence.sel $0xFFFF  }
0xc0: {  	[dreg:$0x0] =	wrdreg $0xFFFFFFFF;
	(pc) =	sbr.abs _section_cstart, $3  }
0xc1: {  	[dreg:$0x1] =	wrdreg $0xFFFFFFFF  }
0xc2: {  	_ =	task.clear_ibuf [dreg:s8], $0x2FFFF;
	_ =	strace $0x9FFFFFFF  }
0xc3: {  	(tm) =	ssettm $0x7FFFFFFF  }
tec
execute0_lowered:
.L_overlay_start_1:
0x0: {  	(tag) =	ssettag $0x1  }
0x1: {  	s26 =	rddreg [dreg:$0x0];
	s0 =	srdreg.scid  }
0x2: {  	s1 =	stileid.u32;
	s2 =	simm.s32 $0x0;
	s0 =	sand.u32 $0x1, s0  }
0x3: {  	s3 =	sshll.u32 s1, $0x10;
	[smem:$0x7FF] =	sst s2;
	s4 =	sshll.u32 s0, $0xF  }
0x4: {  	[dreg:$0xc] =	wrdreg s0;
	s28 =	sor.u32 s4, s3  }
0x5: {  	s31 =	rddreg [dreg:$0x1];
	_ =	strace $0x80000047;
	s3 =	sadd.s32 s26, s28  }
0x6: {  	s4 =	sor.u32 $0xC00, s28;
	s21 =	sadd.s32 s31, s28;
	[dreg:$0x3] =	wrdreg s3  }
0x7: {  	s11 =	sor.u32 $0x1800, s28;
	s16 =	sadd.s32 s26, s4;
	[dreg:$0x8] =	wrdreg s21  }
0x8: {  	s15 =	sor.u32 $0x2400, s28;
	s17 =	sadd.s32 s26, s11;
	[dreg:$0x4] =	wrdreg s16  }
0x9: {  	s19 =	sor.u32 $0x3000, s28;
	s18 =	sadd.s32 s26, s15;
	[dreg:$0x5] =	wrdreg s17  }
0xa: {  	s20 =	sadd.s32 s26, s19;
	[dreg:$0x6] =	wrdreg s18  }
0xb: {  	[dreg:$0x7] =	wrdreg s20  }
0xc: {  	s22 =	sadd.s32 s31, s4;
	s23 =	rddreg [dreg:$0x3]  }
0xd: {  	[dreg:$0x9] =	wrdreg s22  }
0xe: {  	s5 =	rddreg [dreg:$0x4]  }
0xf: {  	[tilespmem:s2], [sflag:$0x1] =	stream.linear.gather [hbm4b:s23+s2], $0x6000, $0x38;
	[tilespmem:$0x1E000] =	vst v63  }
0x10: {  	s3 =	simm.s32 $0x6000;
	s6 =	rddreg [dreg:$0x5]  }
0x11: {  	[tilespmem:s3], [sflag:$0x2] =	stream.linear.gather [hbm4b:s5+s2], $0x6000, $0x38;
	[tilespmem:$0x1E000] =	vst v63  }
0x12: {  	s4 =	simm.s32 $0xC000;
	s22 =	sor.u32 $0x3C00, s28;
	s7 =	rddreg [dreg:$0x6]  }
0x13: {  	[tilespmem:s4], [sflag:$0x3] =	stream.linear.gather [hbm4b:s6+s2], $0x6000, $0x38;
	[tilespmem:$0x1E000] =	vst v63  }
0x14: {  	s24 =	sadd.s32 s26, s22;
	s8 =	rddreg [dreg:$0x7];
	s5 =	simm.s32 $0x12000  }
0x15: {  	[tilespmem:s5], [sflag:$0x4] =	stream.linear.gather [hbm4b:s7+s2], $0x6000, $0x38;
	[tilespmem:$0x1E000] =	vst v63  }
0x16: {  	[dreg:$0xa] =	wrdreg s24;
	s6 =	simm.s32 $0x18000;
	s7 =	simm.s32 $0x1  }
0x17: {  	[tilespmem:s6], [sflag:$0x5] =	stream.linear.gather [hbm4b:s8+s2], $0x6000, $0x38;
	[tilespmem:$0x1E000] =	vst v63  }
0x18: {  	_ =	swait.ge [sflag:s7], $0x6000  }
0x19: {  	[sflag:s7] =	ssyncset.done $0x0  }
0x1a: {  	s8 =	simm.s32 $0x2;
	s9 =	rddreg [dreg:$0x8];
	[sflag:s7] =	ssyncadd.s32 $0xFFFFA000  }
0x1b: {  	[hbm4b:s9+s2] =	stream.linear.scatter [tilespmem:s2], [sflag:$0x6], $0x6000, $0x38;
	[tilespmem:$0x1E000] =	vst v63  }
0x1c: {  	_ =	swait.ge [sflag:s8], $0x6000  }
0x1d: {  	[sflag:s8] =	ssyncset.done $0x0  }
0x1e: {  	s9 =	simm.s32 $0x6;
	s10 =	rddreg [dreg:$0x9];
	[sflag:s8] =	ssyncadd.s32 $0xFFFFA000  }
0x1f: {  	[hbm4b:s10+s2] =	stream.linear.scatter [tilespmem:s3], [sflag:$0x7], $0x6000, $0x38;
	[tilespmem:$0x1E000] =	vst v63  }
0x20: {  	_ =	swait.ge [sflag:s9], $0x6000  }
0x21: {  	[sflag:s9] =	ssyncset.done $0x0  }
0x22: {  	s10 =	simm.s32 $0x3;
	s12 =	rddreg [dreg:$0xa];
	[sflag:s9] =	ssyncadd.s32 $0xFFFFA000  }
0x23: {  	[tilespmem:s2], [sflag:$0x1] =	stream.linear.gather [hbm4b:s12+s2], $0x6000, $0x38;
	[tilespmem:$0x1E000] =	vst v63  }
0x24: {  	_ =	swait.ge [sflag:s10], $0x6000  }
0x25: {  	s25 =	sadd.s32 s31, s11;
	[sflag:s10] =	ssyncset.done $0x0  }
0x26: {  	s12 =	simm.s32 $0x7;
	[dreg:$0xb] =	wrdreg s25;
	[sflag:s10] =	ssyncadd.s32 $0xFFFFA000  }
0x27: {  	[hbm4b:s25+s2] =	stream.linear.scatter [tilespmem:s4], [sflag:$0x8], $0x6000, $0x38;
	[tilespmem:$0x1E000] =	vst v63  }
0x28: {  	_ =	swait.ge [sflag:s12], $0x6000  }
0x29: {  	s25 =	sor.u32 $0x4800, s28;
	[sflag:s12] =	ssyncset.done $0x0  }
0x2a: {  	s14 =	simm.s32 $0x4;
	s13 =	sadd.s32 s26, s25;
	[sflag:s12] =	ssyncadd.s32 $0xFFFFA000  }
0x2b: {  	[tilespmem:s3], [sflag:$0x2] =	stream.linear.gather [hbm4b:s13+s2], $0x6000, $0x38;
	[tilespmem:$0x1E000] =	vst v63  }
0x2c: {  	_ =	swait.ge [sflag:s14], $0x6000  }
0x2d: {  	[sflag:s14] =	ssyncset.done $0x0  }
0x2e: {  	s15 =	sadd.s32 s31, s15;
	s16 =	simm.s32 $0x8;
	[sflag:s14] =	ssyncadd.s32 $0xFFFFA000  }
0x2f: {  	[hbm4b:s15+s2] =	stream.linear.scatter [tilespmem:s5], [sflag:$0x9], $0x6000, $0x38;
	[tilespmem:$0x1E000] =	vst v63  }
0x30: {  	_ =	swait.ge [sflag:s16], $0x6000  }
0x31: {  	s29 =	sor.u32 $0x5400, s28;
	[sflag:s16] =	ssyncset.done $0x0  }
0x32: {  	s17 =	sadd.s32 s26, s29;
	s18 =	simm.s32 $0x5;
	[sflag:s16] =	ssyncadd.s32 $0xFFFFA000  }
0x33: {  	[tilespmem:s4], [sflag:$0x3] =	stream.linear.gather [hbm4b:s17+s2], $0x6000, $0x38;
	[tilespmem:$0x1E000] =	vst v63  }
0x34: {  	_ =	swait.ge [sflag:s18], $0x6000  }
0x35: {  	[sflag:s18] =	ssyncset.done $0x0  }
0x36: {  	s19 =	sadd.s32 s31, s19;
	s20 =	simm.s32 $0x9;
	[sflag:s18] =	ssyncadd.s32 $0xFFFFA000  }
0x37: {  	[hbm4b:s19+s2] =	stream.linear.scatter [tilespmem:s6], [sflag:$0xA], $0x6000, $0x38;
	[tilespmem:$0x1E000] =	vst v63  }
0x38: {  	_ =	swait.ge [sflag:s20], $0x6000  }
0x39: {  	s30 =	sor.u32 $0x6000, s28;
	[sflag:s20] =	ssyncset.done $0x0  }
0x3a: {  	s21 =	sadd.s32 s26, s30;
	[sflag:s20] =	ssyncadd.s32 $0xFFFFA000  }
0x3b: {  	[tilespmem:s5], [sflag:$0x4] =	stream.linear.gather [hbm4b:s21+s2], $0x6000, $0x38;
	[tilespmem:$0x1E000] =	vst v63  }
0x3c: {  	_ =	swait.ge [sflag:s7], $0x6000  }
0x3d: {  	[sflag:s7] =	ssyncset.done $0x0  }
0x3e: {  	s22 =	sadd.s32 s31, s22;
	s23 =	simm.s32 $0xA;
	[sflag:s7] =	ssyncadd.s32 $0xFFFFA000  }
0x3f: {  	[hbm4b:s22+s2] =	stream.linear.scatter [tilespmem:s2], [sflag:$0x6], $0x6000, $0x38;
	[tilespmem:$0x1E000] =	vst v63  }
0x40: {  	_ =	swait.ge [sflag:s23], $0x6000  }
0x41: {  	s0 =	sor.u32 $0x6C00, s28;
	[sflag:s23] =	ssyncset.done $0x0  }
0x42: {  	s24 =	sadd.s32 s26, s0;
	[sflag:s23] =	ssyncadd.s32 $0xFFFFA000  }
0x43: {  	[tilespmem:s6], [sflag:$0x5] =	stream.linear.gather [hbm4b:s24+s2], $0x6000, $0x38;
	[tilespmem:$0x1E000] =	vst v63  }
0x44: {  	_ =	swait.ge [sflag:s8], $0x6000  }
0x45: {  	[sflag:s8] =	ssyncset.done $0x0  }
0x46: {  	s25 =	sadd.s32 s31, s25;
	[sflag:s8] =	ssyncadd.s32 $0xFFFFA000  }
0x47: {  	[hbm4b:s25+s2] =	stream.linear.scatter [tilespmem:s3], [sflag:$0x7], $0x6000, $0x38;
	[tilespmem:$0x1E000] =	vst v63  }
0x48: {  	_ =	swait.ge [sflag:s9], $0x6000  }
0x49: {  	s11 =	sor.u32 $0x7800, s28;
	[sflag:s9] =	ssyncset.done $0x0  }
0x4a: {  	s26 =	sadd.s32 s26, s11;
	[sflag:s9] =	ssyncadd.s32 $0xFFFFA000  }
0x4b: {  	[tilespmem:s2], [sflag:$0x1] =	stream.linear.gather [hbm4b:s26+s2], $0x4000, $0x38;
	[tilespmem:$0x1E000] =	vst v63  }
0x4c: {  	_ =	swait.ge [sflag:s10], $0x6000  }
0x4d: {  	[sflag:s10] =	ssyncset.done $0x0  }
0x4e: {  	s28 =	sadd.s32 s31, s29;
	[sflag:s10] =	ssyncadd.s32 $0xFFFFA000  }
0x4f: {  	[hbm4b:s28+s2] =	stream.linear.scatter [tilespmem:s4], [sflag:$0x8], $0x6000, $0x38;
	[tilespmem:$0x1E000] =	vst v63  }
0x50: {  	_ =	swait.ge [sflag:s14], $0x6000  }
0x51: {  	[sflag:s14] =	ssyncset.done $0x0  }
0x52: {  	s29 =	sadd.s32 s31, s30;
	[sflag:s14] =	ssyncadd.s32 $0xFFFFA000  }
0x53: {  	[hbm4b:s29+s2] =	stream.linear.scatter [tilespmem:s5], [sflag:$0x9], $0x6000, $0x38;
	[tilespmem:$0x1E000] =	vst v63  }
0x54: {  	_ =	swait.ge [sflag:s18], $0x6000  }
0x55: {  	[sflag:s18] =	ssyncset.done $0x0  }
0x56: {  	s30 =	sadd.s32 s31, s0;
	[sflag:s18] =	ssyncadd.s32 $0xFFFFA000  }
0x57: {  	[hbm4b:s30+s2] =	stream.linear.scatter [tilespmem:s6], [sflag:$0xA], $0x6000, $0x38;
	[tilespmem:$0x1E000] =	vst v63  }
0x58: {  	_ =	swait.ge [sflag:s7], $0x4000  }
0x59: {  	[sflag:s7] =	ssyncset.done $0x0  }
0x5a: {  	s31 =	sadd.s32 s31, s11;
	[sflag:s7] =	ssyncadd.s32 $0xFFFFC000  }
0x5b: {  	[hbm4b:s31+s2] =	stream.linear.scatter [tilespmem:s2], [sflag:$0x6], $0x4000, $0x38;
	[tilespmem:$0x1E000] =	vst v63  }
0x5c: {  	_ =	swait.ge [sflag:s12], $0x6000  }
0x5d: {  	[sflag:s12] =	ssyncset.done $0x0  }
0x5e: {  	[sflag:s12] =	ssyncadd.s32 $0xFFFFA000  }
0x5f: {  	_ =	swait.ge [sflag:s16], $0x6000  }
0x60: {  	[sflag:s16] =	ssyncset.done $0x0  }
0x61: {  	[sflag:s16] =	ssyncadd.s32 $0xFFFFA000  }
0x62: {  	_ =	swait.ge [sflag:s20], $0x6000  }
0x63: {  	s1 =	rddreg [dreg:$0xc]  }
0x64: {  	s0 =	ssub.s32 $0x2, s1  }
0x65: {  	s11 =	sshrl.u32 s0, $0x1  }
0x66: {  	s0 =	ssub.s32 s0, s11  }
0x67: {  	s0 =	smax.u32 s0, $0x1  }
0x68: {  	[sflag:s20] =	ssyncset.done $0x0;
	p0 =	sne.s32 s0, $0x1  }
.Ltmp0:
0x69: {  	[sflag:s20] =	ssyncadd.s32 $0xFFFFA000;
	(pc) =	sbr.rel @!p0 .LBB2_2-.Ltmp0, $4  }
0x6a: {  	_ =	swait.ge [sflag:s23], $0x6000  }
0x6b: {  	[sflag:s23] =	ssyncset.done $0x0  }
0x6c: {  	[sflag:s23] =	ssyncadd.s32 $0xFFFFA000  }
0x6d: {  	s0 =	sadd.s32 $0xFFFFFFFF, s0;
	_ =	swait.ge [sflag:s9], $0x4000  }
.LBB2_1:
0x6e: {  	[sflag:s9] =	ssyncset.done $0x0  }
0x6f: {  	s1 =	rddreg [dreg:$0x3];
	[sflag:s9] =	ssyncadd.s32 $0xFFFFC000  }
0x70: {  	[tilespmem:s2], [sflag:$0x1] =	stream.linear.gather [hbm4b:s1+s2], $0x6000, $0x38;
	[tilespmem:$0x1E000] =	vst v63  }
0x71: {  	s11 =	rddreg [dreg:$0x4]  }
0x72: {  	[tilespmem:s3], [sflag:$0x2] =	stream.linear.gather [hbm4b:s11+s2], $0x6000, $0x38;
	[tilespmem:$0x1E000] =	vst v63  }
0x73: {  	s1 =	rddreg [dreg:$0x5]  }
0x74: {  	[tilespmem:s4], [sflag:$0x3] =	stream.linear.gather [hbm4b:s1+s2], $0x6000, $0x38;
	[tilespmem:$0x1E000] =	vst v63  }
0x75: {  	s11 =	rddreg [dreg:$0x6]  }
0x76: {  	[tilespmem:s5], [sflag:$0x4] =	stream.linear.gather [hbm4b:s11+s2], $0x6000, $0x38;
	[tilespmem:$0x1E000] =	vst v63  }
0x77: {  	s1 =	rddreg [dreg:$0x7]  }
0x78: {  	[tilespmem:s6], [sflag:$0x5] =	stream.linear.gather [hbm4b:s1+s2], $0x6000, $0x38;
	[tilespmem:$0x1E000] =	vst v63  }
0x79: {  	_ =	swait.ge [sflag:s7], $0x6000  }
0x7a: {  	[sflag:s7] =	ssyncset.done $0x0  }
0x7b: {  	s11 =	rddreg [dreg:$0x8];
	[sflag:s7] =	ssyncadd.s32 $0xFFFFA000  }
0x7c: {  	[hbm4b:s11+s2] =	stream.linear.scatter [tilespmem:s2], [sflag:$0x6], $0x6000, $0x38;
	[tilespmem:$0x1E000] =	vst v63  }
0x7d: {  	_ =	swait.ge [sflag:s8], $0x6000  }
0x7e: {  	[sflag:s8] =	ssyncset.done $0x0  }
0x7f: {  	s11 =	rddreg [dreg:$0x9];
	[sflag:s8] =	ssyncadd.s32 $0xFFFFA000  }
0x80: {  	[hbm4b:s11+s2] =	stream.linear.scatter [tilespmem:s3], [sflag:$0x7], $0x6000, $0x38;
	[tilespmem:$0x1E000] =	vst v63  }
0x81: {  	_ =	swait.ge [sflag:s9], $0x6000  }
0x82: {  	[sflag:s9] =	ssyncset.done $0x0  }
0x83: {  	s11 =	rddreg [dreg:$0xa];
	[sflag:s9] =	ssyncadd.s32 $0xFFFFA000  }
0x84: {  	[tilespmem:s2], [sflag:$0x1] =	stream.linear.gather [hbm4b:s11+s2], $0x6000, $0x38;
	[tilespmem:$0x1E000] =	vst v63  }
0x85: {  	_ =	swait.ge [sflag:s10], $0x6000  }
0x86: {  	[sflag:s10] =	ssyncset.done $0x0  }
0x87: {  	s11 =	rddreg [dreg:$0xb];
	[sflag:s10] =	ssyncadd.s32 $0xFFFFA000  }
0x88: {  	[hbm4b:s11+s2] =	stream.linear.scatter [tilespmem:s4], [sflag:$0x8], $0x6000, $0x38;
	[tilespmem:$0x1E000] =	vst v63  }
0x89: {  	_ =	swait.ge [sflag:s12], $0x6000  }
0x8a: {  	[sflag:s12] =	ssyncset.done $0x0  }
0x8b: {  	[sflag:s12] =	ssyncadd.s32 $0xFFFFA000  }
0x8c: {  	[tilespmem:s3], [sflag:$0x2] =	stream.linear.gather [hbm4b:s13+s2], $0x6000, $0x38;
	[tilespmem:$0x1E000] =	vst v63  }
0x8d: {  	_ =	swait.ge [sflag:s14], $0x6000  }
0x8e: {  	[sflag:s14] =	ssyncset.done $0x0  }
0x8f: {  	[sflag:s14] =	ssyncadd.s32 $0xFFFFA000  }
0x90: {  	[hbm4b:s15+s2] =	stream.linear.scatter [tilespmem:s5], [sflag:$0x9], $0x6000, $0x38;
	[tilespmem:$0x1E000] =	vst v63  }
0x91: {  	_ =	swait.ge [sflag:s16], $0x6000  }
0x92: {  	[sflag:s16] =	ssyncset.done $0x0  }
0x93: {  	[sflag:s16] =	ssyncadd.s32 $0xFFFFA000  }
0x94: {  	[tilespmem:s4], [sflag:$0x3] =	stream.linear.gather [hbm4b:s17+s2], $0x6000, $0x38;
	[tilespmem:$0x1E000] =	vst v63  }
0x95: {  	_ =	swait.ge [sflag:s18], $0x6000  }
0x96: {  	[sflag:s18] =	ssyncset.done $0x0  }
0x97: {  	[sflag:s18] =	ssyncadd.s32 $0xFFFFA000  }
0x98: {  	[hbm4b:s19+s2] =	stream.linear.scatter [tilespmem:s6], [sflag:$0xA], $0x6000, $0x38;
	[tilespmem:$0x1E000] =	vst v63  }
0x99: {  	_ =	swait.ge [sflag:s20], $0x6000  }
0x9a: {  	[sflag:s20] =	ssyncset.done $0x0  }
0x9b: {  	[sflag:s20] =	ssyncadd.s32 $0xFFFFA000  }
0x9c: {  	[tilespmem:s5], [sflag:$0x4] =	stream.linear.gather [hbm4b:s21+s2], $0x6000, $0x38;
	[tilespmem:$0x1E000] =	vst v63  }
0x9d: {  	_ =	swait.ge [sflag:s7], $0x6000  }
0x9e: {  	[sflag:s7] =	ssyncset.done $0x0  }
0x9f: {  	[sflag:s7] =	ssyncadd.s32 $0xFFFFA000  }
0xa0: {  	[hbm4b:s22+s2] =	stream.linear.scatter [tilespmem:s2], [sflag:$0x6], $0x6000, $0x38;
	[tilespmem:$0x1E000] =	vst v63  }
0xa1: {  	_ =	swait.ge [sflag:s23], $0x6000  }
0xa2: {  	[sflag:s23] =	ssyncset.done $0x0  }
0xa3: {  	[sflag:s23] =	ssyncadd.s32 $0xFFFFA000  }
0xa4: {  	[tilespmem:s6], [sflag:$0x5] =	stream.linear.gather [hbm4b:s24+s2], $0x6000, $0x38;
	[tilespmem:$0x1E000] =	vst v63  }
0xa5: {  	_ =	swait.ge [sflag:s8], $0x6000  }
0xa6: {  	[sflag:s8] =	ssyncset.done $0x0  }
0xa7: {  	[sflag:s8] =	ssyncadd.s32 $0xFFFFA000  }
0xa8: {  	[hbm4b:s25+s2] =	stream.linear.scatter [tilespmem:s3], [sflag:$0x7], $0x6000, $0x38;
	[tilespmem:$0x1E000] =	vst v63  }
0xa9: {  	_ =	swait.ge [sflag:s9], $0x6000  }
0xaa: {  	[sflag:s9] =	ssyncset.done $0x0  }
0xab: {  	[sflag:s9] =	ssyncadd.s32 $0xFFFFA000  }
0xac: {  	[tilespmem:s2], [sflag:$0x1] =	stream.linear.gather [hbm4b:s26+s2], $0x4000, $0x38;
	[tilespmem:$0x1E000] =	vst v63  }
0xad: {  	_ =	swait.ge [sflag:s10], $0x6000  }
0xae: {  	[sflag:s10] =	ssyncset.done $0x0  }
0xaf: {  	[sflag:s10] =	ssyncadd.s32 $0xFFFFA000  }
0xb0: {  	[hbm4b:s28+s2] =	stream.linear.scatter [tilespmem:s4], [sflag:$0x8], $0x6000, $0x38;
	[tilespmem:$0x1E000] =	vst v63  }
0xb1: {  	_ =	swait.ge [sflag:s14], $0x6000  }
0xb2: {  	[sflag:s14] =	ssyncset.done $0x0  }
0xb3: {  	[sflag:s14] =	ssyncadd.s32 $0xFFFFA000  }
0xb4: {  	[hbm4b:s29+s2] =	stream.linear.scatter [tilespmem:s5], [sflag:$0x9], $0x6000, $0x38;
	[tilespmem:$0x1E000] =	vst v63  }
0xb5: {  	_ =	swait.ge [sflag:s18], $0x6000  }
0xb6: {  	[sflag:s18] =	ssyncset.done $0x0  }
0xb7: {  	[sflag:s18] =	ssyncadd.s32 $0xFFFFA000  }
0xb8: {  	[hbm4b:s30+s2] =	stream.linear.scatter [tilespmem:s6], [sflag:$0xA], $0x6000, $0x38;
	[tilespmem:$0x1E000] =	vst v63  }
0xb9: {  	_ =	swait.ge [sflag:s7], $0x4000  }
0xba: {  	[sflag:s7] =	ssyncset.done $0x0  }
0xbb: {  	[sflag:s7] =	ssyncadd.s32 $0xFFFFC000  }
0xbc: {  	[hbm4b:s31+s2] =	stream.linear.scatter [tilespmem:s2], [sflag:$0x6], $0x4000, $0x38;
	[tilespmem:$0x1E000] =	vst v63  }
0xbd: {  	_ =	swait.ge [sflag:s12], $0x6000  }
0xbe: {  	[sflag:s12] =	ssyncset.done $0x0  }
0xbf: {  	[sflag:s12] =	ssyncadd.s32 $0xFFFFA000  }
0xc0: {  	_ =	swait.ge [sflag:s16], $0x6000  }
0xc1: {  	[sflag:s16] =	ssyncset.done $0x0  }
0xc2: {  	[sflag:s16] =	ssyncadd.s32 $0xFFFFA000  }
0xc3: {  	_ =	swait.ge [sflag:s20], $0x6000  }
0xc4: {  	p0 =	sne.s32 s0, $0x1;
	[sflag:s20] =	ssyncset.done $0x0  }
.Ltmp1:
0xc5: {  	[sflag:s20] =	ssyncadd.s32 $0xFFFFA000;
	(pc) =	sbr.rel @p0 .LBB2_1-.Ltmp1, $4  }
0xc6: {  	_ =	swait.ge [sflag:s23], $0x6000  }
0xc7: {  	[sflag:s23] =	ssyncset.done $0x0  }
0xc8: {  	[sflag:s23] =	ssyncadd.s32 $0xFFFFA000  }
0xc9: {  	s0 =	sadd.s32 $0xFFFFFFFF, s0;
	_ =	swait.ge [sflag:s9], $0x4000  }
.LBB2_2:
0xca: {  	[sflag:s9] =	ssyncset.done $0x0  }
0xcb: {  	[sflag:s9] =	ssyncadd.s32 $0xFFFFC000  }
0xcc: {  	_ =	sfence.sel $0x180000  }
0xcd: {  	[bflag:$0x0] =	sbarrier.arrive $0xFFFF  }
0xce: {  	_ =	strace $0x90000047  }
0xcf: {  	s0 =	stileid.u32;
	[bflag:$0x2] =	sbarrier.arrive $0xFFFF  }
0xd0: {  	p0 =	sne.s32 s0, $0x0;
	s0 =	rddreg [dreg:$0x2]  }
0xd1: {  	s0 =	sadd.s32 @!p0 $0x100000, s0  }
0xd2: {  	[sflag:s0] =	ssyncadd.tile.s32 @!p0 $0x1;
	_ =	shalt  }
.Lfunc_end2:
_tile_overlayer_lowered:
.L_overlay_start_2:
0xd3: {  	(tag) =	ssettag $0x2  }
0xd4: {  	s0 =	rddreg [dreg:$0x0];
	s2 =	stileid.u32  }
0xd5: {  	s1 =	rddreg [dreg:$0x1];
	p0 =	sne.s32 s2, $0x0  }
0xd6: {  	s3 =	rddreg [dreg:$0x2];
	[bflag:$0x3] =	sbarrier.arrive $0xFFFF;
	s2 =	simm.s32 @!p0 $0x1C0B  }
0xd7: {  	[timem:s3], [sflag:s2] =	dma.local @!p0 [hbm:s0], s1  }
0xd8: {  	s0 =	simm.s32 @!p0 $0xB  }
0xd9: {  	_ =	swait.ge @!p0 [sflag:s0], s1  }
0xda: {  	s1 =	ssub.s32 @!p0 $0x0, s1;
	[sflag:s0] =	ssyncset.done @!p0 $0x0  }
0xdb: {  	[sflag:s0] =	ssyncadd.s32 @!p0 s1  }
0xdc: {  	[bflag:$0x3] =	sbarrier.arrive $0xFFFF  }
0xdd: {  	_ =	shalt  }

</sc_bundles>
